<compile_context>
chip_gen: v7x
topology: tpu7x:2x2x1
jax: 0.10.2.dev20260603
libtpu: 0.0.44.dev20260713+nightly
codegen_flags: <defaults>
</compile_context>

<pallas_src>
import functools

import jax
import jax.numpy as jnp
from jax import lax
from jax.experimental import pallas as pl
from jax.experimental.pallas import tpu as pltpu
from jax.experimental.pallas import tpu_sc as plsc

HIDDEN = 128
NLANE = 16
NSEG = HIDDEN // NLANE
NC = 2
NS = 16
NW = NC * NS
CHUNK = 128
NBUF = 2
EPS = 1e-5


def _rsqrt(v):
    i = plsc.bitcast(v, jnp.int32)
    i = jnp.int32(0x5F3759DF) - lax.shift_right_logical(i, 1)
    y = plsc.bitcast(i, jnp.float32)
    half = v * jnp.float32(0.5)
    for _ in range(2):
        y = y * (jnp.float32(1.5) - half * y * y)
    return y


def _sc_body(nrows, x_hbm, ids_hbm, tab_hbm, gam_hbm, bet_hbm, out_hbm,
             idx_v, xbuf, ebuf, obuf, gb_v, tab_sh,
             s_ids0, s_ids1, s_x0, s_x1, s_g0, s_g1, s_o0, s_o1):
    rpw = nrows // NW
    nchunks = rpw // CHUNK
    wid = lax.axis_index("s") * NC + lax.axis_index("c")
    w_base = wid * rpw

    ids_sems = (s_ids0, s_ids1)
    x_sems = (s_x0, s_x1)
    g_sems = (s_g0, s_g1)
    o_sems = (s_o0, s_o1)

    @pl.when(lax.axis_index("s") == 0)
    def _():
        pltpu.sync_copy(tab_hbm, tab_sh)
    pltpu.sync_copy(gam_hbm, gb_v.at[0])
    pltpu.sync_copy(bet_hbm, gb_v.at[1])
    plsc.subcore_barrier()
    gvec = [gb_v[0, pl.ds(j * NLANE, NLANE)] for j in range(NSEG)]
    bvec = [gb_v[1, pl.ds(j * NLANE, NLANE)] for j in range(NSEG)]

    def issue_in(g, b):
        base = w_base + g * CHUNK
        pltpu.async_copy(ids_hbm.at[pl.ds(base, CHUNK)], idx_v.at[b],
                         ids_sems[b])
        pltpu.async_copy(x_hbm.at[pl.ds(base, CHUNK)], xbuf.at[b], x_sems[b])

    def issue_gather(b):
        pltpu.async_copy(tab_sh.at[idx_v.at[b]], ebuf.at[b], g_sems[b])

    def compute_chunk(b):
        xb = xbuf.at[b]
        eb = ebuf.at[b]
        ob = obuf.at[b]

        @pl.loop(0, CHUNK)
        def _row(r):
            xs = [xb[r, pl.ds(j * NLANE, NLANE)] +
                  eb[r, pl.ds(j * NLANE, NLANE)] for j in range(NSEG)]
            s = xs
            q = [v * v for v in xs]
            while len(s) > 1:
                s = [s[i] + s[i + 1] for i in range(0, len(s), 2)]
                q = [q[i] + q[i + 1] for i in range(0, len(q), 2)]
            tot = lax.reduce_sum_p.bind(s[0], axes=(0,))
            totq = lax.reduce_sum_p.bind(q[0], axes=(0,))
            mean = jnp.full((NLANE,), tot, jnp.float32) * jnp.float32(1.0 / HIDDEN)
            msq = jnp.full((NLANE,), totq, jnp.float32) * jnp.float32(1.0 / HIDDEN)
            var = msq - mean * mean
            inv = _rsqrt(var + jnp.float32(EPS))
            t = mean * inv
            for j in range(NSEG):
                cg = inv * gvec[j]
                cb = bvec[j] - t * gvec[j]
                ob[r, pl.ds(j * NLANE, NLANE)] = xs[j] * cg + cb

    def issue_out(g, b):
        base = w_base + g * CHUNK
        pltpu.async_copy(obuf.at[b], out_hbm.at[pl.ds(base, CHUNK)], o_sems[b])

    issue_in(0, 0)
    issue_in(1, 1)
    pltpu.make_async_copy(ids_hbm.at[pl.ds(0, CHUNK)], idx_v.at[0],
                          ids_sems[0]).wait()
    issue_gather(0)

    @pl.loop(0, nchunks, step=NBUF)
    def _step(g0):
        for b in range(NBUF):
            g = g0 + b
            nb = 1 - b

            @pl.when(g + 1 < nchunks)
            def _():
                pltpu.make_async_copy(
                    ids_hbm.at[pl.ds(0, CHUNK)], idx_v.at[nb],
                    ids_sems[nb]).wait()
                issue_gather(nb)

            pltpu.make_async_copy(x_hbm.at[pl.ds(0, CHUNK)], xbuf.at[b],
                                  x_sems[b]).wait()
            pltpu.make_async_copy(tab_sh.at[idx_v.at[b]], ebuf.at[b],
                                  g_sems[b]).wait()

            @pl.when(g >= NBUF)
            def _():
                pltpu.make_async_copy(obuf.at[b],
                                      out_hbm.at[pl.ds(0, CHUNK)],
                                      o_sems[b]).wait()

            compute_chunk(b)
            issue_out(g, b)

            @pl.when(g + NBUF < nchunks)
            def _():
                issue_in(g + NBUF, b)

    pltpu.make_async_copy(obuf.at[0], out_hbm.at[pl.ds(0, CHUNK)],
                          o_sems[0]).wait()
    pltpu.make_async_copy(obuf.at[1], out_hbm.at[pl.ds(0, CHUNK)],
                          o_sems[1]).wait()


def kernel(batch_mention_emb, mention_type_ids, emb_table, ln_gamma, ln_beta):
    B, L, H = batch_mention_emb.shape
    n = B * L
    x2d = jnp.transpose(batch_mention_emb, (1, 0, 2)).reshape(n, H)
    ids = jnp.transpose(mention_type_ids, (1, 0)).reshape(n).astype(jnp.int32)

    mesh = plsc.VectorSubcoreMesh(core_axis_name="c", subcore_axis_name="s",
                                  num_cores=NC, num_subcores=NS)
    run = pl.kernel(
        functools.partial(_sc_body, n),
        out_type=jax.ShapeDtypeStruct((n, H), jnp.float32),
        mesh=mesh,
        compiler_params=pltpu.CompilerParams(needs_layout_passes=False),
        scratch_types=[
            pltpu.VMEM((NBUF, CHUNK), jnp.int32),
            pltpu.VMEM((NBUF, CHUNK, H), jnp.float32),
            pltpu.VMEM((NBUF, CHUNK, H), jnp.float32),
            pltpu.VMEM((NBUF, CHUNK, H), jnp.float32),
            pltpu.VMEM((2, H), jnp.float32),
            pltpu.MemorySpace.VMEM_SHARED((1000, H), jnp.float32),
        ] + [pltpu.SemaphoreType.DMA] * 8,
    )
    out = run(x2d, ids, emb_table, ln_gamma, ln_beta)
    return jnp.transpose(out.reshape(L, B, H), (1, 0, 2))

# --- scband reference (transcript-rebuilt; emitter-appended) ---
"""Pipeline reference for scband-mention-type-encoder-4672924418343 (READ-ONLY COPY).

The authoritative reference and input builder live on the scoring server;
editing this copy changes nothing except your own understanding.
"""

import jax, jax.numpy as jnp
import numpy as np

HIDDEN = 128
NUM_TYPES = 1000
B = 16384
L = 50

def setup_inputs(seed: int = 0) -> dict:
    key = jax.random.key(seed)
    k1, k2, k3 = jax.random.split(key, 3)
    batch_mention_emb = jax.random.normal(k1, (B, L, HIDDEN), dtype=jnp.float32)
    mention_type_ids = jax.random.randint(k2, (B, L), 0, NUM_TYPES, dtype=jnp.int64)
    emb_table = jax.random.normal(k3, (NUM_TYPES, HIDDEN), dtype=jnp.float32) * 0.02
    ln_gamma = jnp.ones((HIDDEN,), dtype=jnp.float32)
    ln_beta = jnp.zeros((HIDDEN,), dtype=jnp.float32)
    return {
        'batch_mention_emb': batch_mention_emb,
        'mention_type_ids': mention_type_ids,
        'emb_table': emb_table,
        'ln_gamma': ln_gamma,
        'ln_beta': ln_beta,
    }

def _layer_norm(x, gamma, beta, eps=1e-5):
    mean = jnp.mean(x, axis=-1, keepdims=True)
    var = jnp.var(x, axis=-1, keepdims=True)
    normed = (x - mean) / jnp.sqrt(var + eps)
    return normed * gamma + beta

def reference(batch_mention_emb, mention_type_ids, emb_table, ln_gamma, ln_beta):
    # embedding lookup (gather)
    batch_mention_type_emb = jnp.take(emb_table, mention_type_ids, axis=0)
    out = batch_mention_emb + batch_mention_type_emb
    out = _layer_norm(out, ln_gamma, ln_beta)
    # dropout: identity in eval mode
    return out

if __name__ == "__main__":
    import jax
    _d = setup_inputs()
    print(jax.jit(kernel)(*tuple(_d.values())))

</pallas_src>

<mosaic_0001>
#map = affine_map<(d0, d1) -> (0, 0)>
#map1 = affine_map<(d0, d1) -> (0)>
module attributes {stable_mosaic.version = 14 : i64} {
  func.func @_sc_body(%arg0: i32, %arg1: i32, %arg2: memref<819200x128xf32, #tpu.memory_space<hbm>>, %arg3: memref<819200xi32, #tpu.memory_space<hbm>>, %arg4: memref<1000x128xf32, #tpu.memory_space<hbm>>, %arg5: memref<128xf32, #tpu.memory_space<hbm>>, %arg6: memref<128xf32, #tpu.memory_space<hbm>>, %arg7: memref<819200x128xf32, #tpu.memory_space<hbm>>, %arg8: memref<2x128xi32, #tpu.memory_space<vmem>>, %arg9: memref<2x128x128xf32, #tpu.memory_space<vmem>>, %arg10: memref<2x128x128xf32, #tpu.memory_space<vmem>>, %arg11: memref<2x128x128xf32, #tpu.memory_space<vmem>>, %arg12: memref<2x128xf32, #tpu.memory_space<vmem>>, %arg13: memref<1000x128xf32, #tpu.memory_space<vmem_shared>>, %arg14: memref<!tpu.dma_semaphore, #tpu.memory_space<semaphore_mem>>, %arg15: memref<!tpu.dma_semaphore, #tpu.memory_space<semaphore_mem>>, %arg16: memref<!tpu.dma_semaphore, #tpu.memory_space<semaphore_mem>>, %arg17: memref<!tpu.dma_semaphore, #tpu.memory_space<semaphore_mem>>, %arg18: memref<!tpu.dma_semaphore, #tpu.memory_space<semaphore_mem>>, %arg19: memref<!tpu.dma_semaphore, #tpu.memory_space<semaphore_mem>>, %arg20: memref<!tpu.dma_semaphore, #tpu.memory_space<semaphore_mem>>, %arg21: memref<!tpu.dma_semaphore, #tpu.memory_space<semaphore_mem>>) attributes {dimension_semantics = [#tpu.dimension_semantics<core_parallel>, #tpu.dimension_semantics<subcore_parallel>], iteration_bounds = array<i64: 2, 16>, scalar_prefetch = 0 : i64, scratch_operands = 14 : i64, tpu.core_type = #tpu.core_type<sc_vector_subcore>, window_params = [{transform_indices = #map}, {transform_indices = #map1}, {transform_indices = #map}, {transform_indices = #map1}, {transform_indices = #map1}, {transform_indices = #map}]} {
    %mul3A = arith.constant 2 : i32
    %mul3A_0 = arith.muli %arg1, %mul3A : i32
    %add3A = arith.addi %mul3A_0, %arg0 : i32
    %mul3A_1 = arith.constant 25600 : i32
    %mul3A_2 = arith.muli %add3A, %mul3A_1 : i32
    %eq3A = arith.constant 0 : i32
    %eq3A_3 = arith.cmpi eq, %arg1, %eq3A : i32
    %convert_element_type3A = arith.extui %eq3A_3 : i1 to i32
    %cond3A = arith.constant 0 : i32
    %cond3A_4 = arith.cmpi ne, %convert_element_type3A, %cond3A : i32
    scf.if %cond3A_4 {
      "tpu.region"() ({
        %run_scoped3A_172 = tpu.sem_alloc : memref<!tpu.dma_semaphore, #tpu.memory_space<semaphore_mem>>
        tpu.enqueue_dma source(%arg4 : memref<1000x128xf32, #tpu.memory_space<hbm>>) target(%arg13 : memref<1000x128xf32, #tpu.memory_space<vmem_shared>>) target_semaphore(%run_scoped3A_172 : memref<!tpu.dma_semaphore, #tpu.memory_space<semaphore_mem>>)
        tpu.wait_dma2 semaphore(%run_scoped3A_172 : memref<!tpu.dma_semaphore, #tpu.memory_space<semaphore_mem>>) src(%arg4 : memref<1000x128xf32, #tpu.memory_space<hbm>>) dst(%arg13 : memref<1000x128xf32, #tpu.memory_space<vmem_shared>>)
        tpu.yield
      }) : () -> ()
    } else {
    }
    %run_scoped3A = arith.constant 0 : i32
    "tpu.region"() ({
      %run_scoped3A_172 = tpu.sem_alloc : memref<!tpu.dma_semaphore, #tpu.memory_space<semaphore_mem>>
      %dma_start3A_173 = arith.constant 0 : i32
      %dma_start3A_174 = tpu.memref_slice %arg12[%run_scoped3A, %dma_start3A_173] : memref<2x128xf32, #tpu.memory_space<vmem>> -> memref<1x128xf32, #tpu.memory_space<vmem>>
      %dma_start3A_175 = tpu.memref_squeeze %dma_start3A_174 : memref<1x128xf32, #tpu.memory_space<vmem>> -> memref<128xf32, #tpu.memory_space<vmem>>
      %dma_start3A_176 = arith.constant 0 : i32
      %dma_start3A_177 = tpu.memref_slice %arg12[%run_scoped3A, %dma_start3A_176] : memref<2x128xf32, #tpu.memory_space<vmem>> -> memref<1x128xf32, #tpu.memory_space<vmem>>
      %dma_start3A_178 = tpu.memref_squeeze %dma_start3A_177 : memref<1x128xf32, #tpu.memory_space<vmem>> -> memref<128xf32, #tpu.memory_space<vmem>>
      tpu.enqueue_dma source(%arg5 : memref<128xf32, #tpu.memory_space<hbm>>) target(%dma_start3A_178 : memref<128xf32, #tpu.memory_space<vmem>>) target_semaphore(%run_scoped3A_172 : memref<!tpu.dma_semaphore, #tpu.memory_space<semaphore_mem>>)
      %dma_wait3A_179 = arith.constant 0 : i32
      %dma_wait3A_180 = tpu.memref_slice %arg12[%run_scoped3A, %dma_wait3A_179] : memref<2x128xf32, #tpu.memory_space<vmem>> -> memref<1x128xf32, #tpu.memory_space<vmem>>
      %dma_wait3A_181 = tpu.memref_squeeze %dma_wait3A_180 : memref<1x128xf32, #tpu.memory_space<vmem>> -> memref<128xf32, #tpu.memory_space<vmem>>
      %dma_wait3A_182 = arith.constant 0 : i32
      %dma_wait3A_183 = tpu.memref_slice %arg12[%run_scoped3A, %dma_wait3A_182] : memref<2x128xf32, #tpu.memory_space<vmem>> -> memref<1x128xf32, #tpu.memory_space<vmem>>
      %dma_wait3A_184 = tpu.memref_squeeze %dma_wait3A_183 : memref<1x128xf32, #tpu.memory_space<vmem>> -> memref<128xf32, #tpu.memory_space<vmem>>
      tpu.wait_dma2 semaphore(%run_scoped3A_172 : memref<!tpu.dma_semaphore, #tpu.memory_space<semaphore_mem>>) src(%arg5 : memref<128xf32, #tpu.memory_space<hbm>>) dst(%dma_wait3A_184 : memref<128xf32, #tpu.memory_space<vmem>>)
      tpu.yield
    }) : () -> ()
    %run_scoped3A_5 = arith.constant 1 : i32
    "tpu.region"() ({
      %run_scoped3A_172 = tpu.sem_alloc : memref<!tpu.dma_semaphore, #tpu.memory_space<semaphore_mem>>
      %dma_start3A_173 = arith.constant 0 : i32
      %dma_start3A_174 = tpu.memref_slice %arg12[%run_scoped3A_5, %dma_start3A_173] : memref<2x128xf32, #tpu.memory_space<vmem>> -> memref<1x128xf32, #tpu.memory_space<vmem>>
      %dma_start3A_175 = tpu.memref_squeeze %dma_start3A_174 : memref<1x128xf32, #tpu.memory_space<vmem>> -> memref<128xf32, #tpu.memory_space<vmem>>
      %dma_start3A_176 = arith.constant 0 : i32
      %dma_start3A_177 = tpu.memref_slice %arg12[%run_scoped3A_5, %dma_start3A_176] : memref<2x128xf32, #tpu.memory_space<vmem>> -> memref<1x128xf32, #tpu.memory_space<vmem>>
      %dma_start3A_178 = tpu.memref_squeeze %dma_start3A_177 : memref<1x128xf32, #tpu.memory_space<vmem>> -> memref<128xf32, #tpu.memory_space<vmem>>
      tpu.enqueue_dma source(%arg6 : memref<128xf32, #tpu.memory_space<hbm>>) target(%dma_start3A_178 : memref<128xf32, #tpu.memory_space<vmem>>) target_semaphore(%run_scoped3A_172 : memref<!tpu.dma_semaphore, #tpu.memory_space<semaphore_mem>>)
      %dma_wait3A_179 = arith.constant 0 : i32
      %dma_wait3A_180 = tpu.memref_slice %arg12[%run_scoped3A_5, %dma_wait3A_179] : memref<2x128xf32, #tpu.memory_space<vmem>> -> memref<1x128xf32, #tpu.memory_space<vmem>>
      %dma_wait3A_181 = tpu.memref_squeeze %dma_wait3A_180 : memref<1x128xf32, #tpu.memory_space<vmem>> -> memref<128xf32, #tpu.memory_space<vmem>>
      %dma_wait3A_182 = arith.constant 0 : i32
      %dma_wait3A_183 = tpu.memref_slice %arg12[%run_scoped3A_5, %dma_wait3A_182] : memref<2x128xf32, #tpu.memory_space<vmem>> -> memref<1x128xf32, #tpu.memory_space<vmem>>
      %dma_wait3A_184 = tpu.memref_squeeze %dma_wait3A_183 : memref<1x128xf32, #tpu.memory_space<vmem>> -> memref<128xf32, #tpu.memory_space<vmem>>
      tpu.wait_dma2 semaphore(%run_scoped3A_172 : memref<!tpu.dma_semaphore, #tpu.memory_space<semaphore_mem>>) src(%arg6 : memref<128xf32, #tpu.memory_space<hbm>>) dst(%dma_wait3A_184 : memref<128xf32, #tpu.memory_space<vmem>>)
      tpu.yield
    }) : () -> ()
    %barrier3A = arith.constant 0 : index
    tpu.barrier barrier_id(%barrier3A)
    %get3A = arith.constant 0 : i32
    %get3A_6 = arith.index_cast %get3A : i32 to index
    %get3A_7 = arith.constant 0 : index
    %get3A_8 = tpu.vector_load %arg12[%get3A_6, %get3A_7] {strides = array<i32>} : memref<2x128xf32, #tpu.memory_space<vmem>>, vector<16xf32>,
    %get3A_9 = arith.constant 0 : i32
    %get3A_10 = arith.index_cast %get3A_9 : i32 to index
    %get3A_11 = arith.constant 16 : index
    %get3A_12 = tpu.vector_load %arg12[%get3A_10, %get3A_11] {strides = array<i32>} : memref<2x128xf32, #tpu.memory_space<vmem>>, vector<16xf32>,
    %get3A_13 = arith.constant 0 : i32
    %get3A_14 = arith.index_cast %get3A_13 : i32 to index
    %get3A_15 = arith.constant 32 : index
    %get3A_16 = tpu.vector_load %arg12[%get3A_14, %get3A_15] {strides = array<i32>} : memref<2x128xf32, #tpu.memory_space<vmem>>, vector<16xf32>,
    %get3A_17 = arith.constant 0 : i32
    %get3A_18 = arith.index_cast %get3A_17 : i32 to index
    %get3A_19 = arith.constant 48 : index
    %get3A_20 = tpu.vector_load %arg12[%get3A_18, %get3A_19] {strides = array<i32>} : memref<2x128xf32, #tpu.memory_space<vmem>>, vector<16xf32>,
    %get3A_21 = arith.constant 0 : i32
    %get3A_22 = arith.index_cast %get3A_21 : i32 to index
    %get3A_23 = arith.constant 64 : index
    %get3A_24 = tpu.vector_load %arg12[%get3A_22, %get3A_23] {strides = array<i32>} : memref<2x128xf32, #tpu.memory_space<vmem>>, vector<16xf32>,
    %get3A_25 = arith.constant 0 : i32
    %get3A_26 = arith.index_cast %get3A_25 : i32 to index
    %get3A_27 = arith.constant 80 : index
    %get3A_28 = tpu.vector_load %arg12[%get3A_26, %get3A_27] {strides = array<i32>} : memref<2x128xf32, #tpu.memory_space<vmem>>, vector<16xf32>,
    %get3A_29 = arith.constant 0 : i32
    %get3A_30 = arith.index_cast %get3A_29 : i32 to index
    %get3A_31 = arith.constant 96 : index
    %get3A_32 = tpu.vector_load %arg12[%get3A_30, %get3A_31] {strides = array<i32>} : memref<2x128xf32, #tpu.memory_space<vmem>>, vector<16xf32>,
    %get3A_33 = arith.constant 0 : i32
    %get3A_34 = arith.index_cast %get3A_33 : i32 to index
    %get3A_35 = arith.constant 112 : index
    %get3A_36 = tpu.vector_load %arg12[%get3A_34, %get3A_35] {strides = array<i32>} : memref<2x128xf32, #tpu.memory_space<vmem>>, vector<16xf32>,
    %get3A_37 = arith.constant 1 : i32
    %get3A_38 = arith.index_cast %get3A_37 : i32 to index
    %get3A_39 = arith.constant 0 : index
    %get3A_40 = tpu.vector_load %arg12[%get3A_38, %get3A_39] {strides = array<i32>} : memref<2x128xf32, #tpu.memory_space<vmem>>, vector<16xf32>,
    %get3A_41 = arith.constant 1 : i32
    %get3A_42 = arith.index_cast %get3A_41 : i32 to index
    %get3A_43 = arith.constant 16 : index
    %get3A_44 = tpu.vector_load %arg12[%get3A_42, %get3A_43] {strides = array<i32>} : memref<2x128xf32, #tpu.memory_space<vmem>>, vector<16xf32>,
    %get3A_45 = arith.constant 1 : i32
    %get3A_46 = arith.index_cast %get3A_45 : i32 to index
    %get3A_47 = arith.constant 32 : index
    %get3A_48 = tpu.vector_load %arg12[%get3A_46, %get3A_47] {strides = array<i32>} : memref<2x128xf32, #tpu.memory_space<vmem>>, vector<16xf32>,
    %get3A_49 = arith.constant 1 : i32
    %get3A_50 = arith.index_cast %get3A_49 : i32 to index
    %get3A_51 = arith.constant 48 : index
    %get3A_52 = tpu.vector_load %arg12[%get3A_50, %get3A_51] {strides = array<i32>} : memref<2x128xf32, #tpu.memory_space<vmem>>, vector<16xf32>,
    %get3A_53 = arith.constant 1 : i32
    %get3A_54 = arith.index_cast %get3A_53 : i32 to index
    %get3A_55 = arith.constant 64 : index
    %get3A_56 = tpu.vector_load %arg12[%get3A_54, %get3A_55] {strides = array<i32>} : memref<2x128xf32, #tpu.memory_space<vmem>>, vector<16xf32>,
    %get3A_57 = arith.constant 1 : i32
    %get3A_58 = arith.index_cast %get3A_57 : i32 to index
    %get3A_59 = arith.constant 80 : index
    %get3A_60 = tpu.vector_load %arg12[%get3A_58, %get3A_59] {strides = array<i32>} : memref<2x128xf32, #tpu.memory_space<vmem>>, vector<16xf32>,
    %get3A_61 = arith.constant 1 : i32
    %get3A_62 = arith.index_cast %get3A_61 : i32 to index
    %get3A_63 = arith.constant 96 : index
    %get3A_64 = tpu.vector_load %arg12[%get3A_62, %get3A_63] {strides = array<i32>} : memref<2x128xf32, #tpu.memory_space<vmem>>, vector<16xf32>,
    %get3A_65 = arith.constant 1 : i32
    %get3A_66 = arith.index_cast %get3A_65 : i32 to index
    %get3A_67 = arith.constant 112 : index
    %get3A_68 = tpu.vector_load %arg12[%get3A_66, %get3A_67] {strides = array<i32>} : memref<2x128xf32, #tpu.memory_space<vmem>>, vector<16xf32>,
    %add3A_69 = arith.constant 0 : i32
    %add3A_70 = arith.addi %mul3A_2, %add3A_69 : i32
    %dma_start3A = arith.constant 0 : i32
    %dma_start3A_71 = arith.constant 0 : i32
    %dma_start3A_72 = tpu.memref_slice %arg8[%dma_start3A, %dma_start3A_71] : memref<2x128xi32, #tpu.memory_space<vmem>> -> memref<1x128xi32, #tpu.memory_space<vmem>>
    %dma_start3A_73 = tpu.memref_squeeze %dma_start3A_72 : memref<1x128xi32, #tpu.memory_space<vmem>> -> memref<128xi32, #tpu.memory_space<vmem>>
    %dma_start3A_74 = tpu.memref_slice %arg3[%add3A_70] : memref<819200xi32, #tpu.memory_space<hbm>> -> memref<128xi32, #tpu.memory_space<hbm>>
    %dma_start3A_75 = arith.constant 0 : i32
    %dma_start3A_76 = tpu.memref_slice %arg8[%dma_start3A, %dma_start3A_75] : memref<2x128xi32, #tpu.memory_space<vmem>> -> memref<1x128xi32, #tpu.memory_space<vmem>>
    %dma_start3A_77 = tpu.memref_squeeze %dma_start3A_76 : memref<1x128xi32, #tpu.memory_space<vmem>> -> memref<128xi32, #tpu.memory_space<vmem>>
    %dma_start3A_78 = tpu.memref_slice %arg3[%add3A_70] : memref<819200xi32, #tpu.memory_space<hbm>> -> memref<128xi32, #tpu.memory_space<hbm>>
    tpu.enqueue_dma source(%dma_start3A_78 : memref<128xi32, #tpu.memory_space<hbm>>) target(%dma_start3A_77 : memref<128xi32, #tpu.memory_space<vmem>>) target_semaphore(%arg14 : memref<!tpu.dma_semaphore, #tpu.memory_space<semaphore_mem>>)
    %dma_start3A_79 = arith.constant 0 : i32
    %dma_start3A_80 = arith.constant 0 : i32
    %dma_start3A_81 = arith.constant 0 : i32
    %dma_start3A_82 = tpu.memref_slice %arg9[%dma_start3A_79, %dma_start3A_80, %dma_start3A_81] : memref<2x128x128xf32, #tpu.memory_space<vmem>> -> memref<1x128x128xf32, #tpu.memory_space<vmem>>
    %dma_start3A_83 = tpu.memref_squeeze %dma_start3A_82 : memref<1x128x128xf32, #tpu.memory_space<vmem>> -> memref<128x128xf32, #tpu.memory_space<vmem>>
    %dma_start3A_84 = arith.constant 0 : i32
    %dma_start3A_85 = tpu.memref_slice %arg2[%add3A_70, %dma_start3A_84] : memref<819200x128xf32, #tpu.memory_space<hbm>> -> memref<128x128xf32, #tpu.memory_space<hbm>>
    %dma_start3A_86 = arith.constant 0 : i32
    %dma_start3A_87 = arith.constant 0 : i32
    %dma_start3A_88 = tpu.memref_slice %arg9[%dma_start3A_79, %dma_start3A_86, %dma_start3A_87] : memref<2x128x128xf32, #tpu.memory_space<vmem>> -> memref<1x128x128xf32, #tpu.memory_space<vmem>>
    %dma_start3A_89 = tpu.memref_squeeze %dma_start3A_88 : memref<1x128x128xf32, #tpu.memory_space<vmem>> -> memref<128x128xf32, #tpu.memory_space<vmem>>
    %dma_start3A_90 = arith.constant 0 : i32
    %dma_start3A_91 = tpu.memref_slice %arg2[%add3A_70, %dma_start3A_90] : memref<819200x128xf32, #tpu.memory_space<hbm>> -> memref<128x128xf32, #tpu.memory_space<hbm>>
    tpu.enqueue_dma source(%dma_start3A_91 : memref<128x128xf32, #tpu.memory_space<hbm>>) target(%dma_start3A_89 : memref<128x128xf32, #tpu.memory_space<vmem>>) target_semaphore(%arg16 : memref<!tpu.dma_semaphore, #tpu.memory_space<semaphore_mem>>)
    %add3A_92 = arith.constant 128 : i32
    %add3A_93 = arith.addi %mul3A_2, %add3A_92 : i32
    %dma_start3A_94 = arith.constant 1 : i32
    %dma_start3A_95 = arith.constant 0 : i32
    %dma_start3A_96 = tpu.memref_slice %arg8[%dma_start3A_94, %dma_start3A_95] : memref<2x128xi32, #tpu.memory_space<vmem>> -> memref<1x128xi32, #tpu.memory_space<vmem>>
    %dma_start3A_97 = tpu.memref_squeeze %dma_start3A_96 : memref<1x128xi32, #tpu.memory_space<vmem>> -> memref<128xi32, #tpu.memory_space<vmem>>
    %dma_start3A_98 = tpu.memref_slice %arg3[%add3A_93] : memref<819200xi32, #tpu.memory_space<hbm>> -> memref<128xi32, #tpu.memory_space<hbm>>
    %dma_start3A_99 = arith.constant 0 : i32
    %dma_start3A_100 = tpu.memref_slice %arg8[%dma_start3A_94, %dma_start3A_99] : memref<2x128xi32, #tpu.memory_space<vmem>> -> memref<1x128xi32, #tpu.memory_space<vmem>>
    %dma_start3A_101 = tpu.memref_squeeze %dma_start3A_100 : memref<1x128xi32, #tpu.memory_space<vmem>> -> memref<128xi32, #tpu.memory_space<vmem>>
    %dma_start3A_102 = tpu.memref_slice %arg3[%add3A_93] : memref<819200xi32, #tpu.memory_space<hbm>> -> memref<128xi32, #tpu.memory_space<hbm>>
    tpu.enqueue_dma source(%dma_start3A_102 : memref<128xi32, #tpu.memory_space<hbm>>) target(%dma_start3A_101 : memref<128xi32, #tpu.memory_space<vmem>>) target_semaphore(%arg15 : memref<!tpu.dma_semaphore, #tpu.memory_space<semaphore_mem>>)
    %dma_start3A_103 = arith.constant 1 : i32
    %dma_start3A_104 = arith.constant 0 : i32
    %dma_start3A_105 = arith.constant 0 : i32
    %dma_start3A_106 = tpu.memref_slice %arg9[%dma_start3A_103, %dma_start3A_104, %dma_start3A_105] : memref<2x128x128xf32, #tpu.memory_space<vmem>> -> memref<1x128x128xf32, #tpu.memory_space<vmem>>
    %dma_start3A_107 = tpu.memref_squeeze %dma_start3A_106 : memref<1x128x128xf32, #tpu.memory_space<vmem>> -> memref<128x128xf32, #tpu.memory_space<vmem>>
    %dma_start3A_108 = arith.constant 0 : i32
    %dma_start3A_109 = tpu.memref_slice %arg2[%add3A_93, %dma_start3A_108] : memref<819200x128xf32, #tpu.memory_space<hbm>> -> memref<128x128xf32, #tpu.memory_space<hbm>>
    %dma_start3A_110 = arith.constant 0 : i32
    %dma_start3A_111 = arith.constant 0 : i32
    %dma_start3A_112 = tpu.memref_slice %arg9[%dma_start3A_103, %dma_start3A_110, %dma_start3A_111] : memref<2x128x128xf32, #tpu.memory_space<vmem>> -> memref<1x128x128xf32, #tpu.memory_space<vmem>>
    %dma_start3A_113 = tpu.memref_squeeze %dma_start3A_112 : memref<1x128x128xf32, #tpu.memory_space<vmem>> -> memref<128x128xf32, #tpu.memory_space<vmem>>
    %dma_start3A_114 = arith.constant 0 : i32
    %dma_start3A_115 = tpu.memref_slice %arg2[%add3A_93, %dma_start3A_114] : memref<819200x128xf32, #tpu.memory_space<hbm>> -> memref<128x128xf32, #tpu.memory_space<hbm>>
    tpu.enqueue_dma source(%dma_start3A_115 : memref<128x128xf32, #tpu.memory_space<hbm>>) target(%dma_start3A_113 : memref<128x128xf32, #tpu.memory_space<vmem>>) target_semaphore(%arg17 : memref<!tpu.dma_semaphore, #tpu.memory_space<semaphore_mem>>)
    %dma_wait3A = arith.constant 0 : i32
    %dma_wait3A_116 = arith.constant 0 : i32
    %dma_wait3A_117 = tpu.memref_slice %arg8[%dma_wait3A, %dma_wait3A_116] : memref<2x128xi32, #tpu.memory_space<vmem>> -> memref<1x128xi32, #tpu.memory_space<vmem>>
    %dma_wait3A_118 = tpu.memref_squeeze %dma_wait3A_117 : memref<1x128xi32, #tpu.memory_space<vmem>> -> memref<128xi32, #tpu.memory_space<vmem>>
    %dma_wait3A_119 = arith.constant 0 : i32
    %dma_wait3A_120 = tpu.memref_slice %arg3[%dma_wait3A_119] : memref<819200xi32, #tpu.memory_space<hbm>> -> memref<128xi32, #tpu.memory_space<hbm>>
    %dma_wait3A_121 = arith.constant 0 : i32
    %dma_wait3A_122 = tpu.memref_slice %arg8[%dma_wait3A, %dma_wait3A_121] : memref<2x128xi32, #tpu.memory_space<vmem>> -> memref<1x128xi32, #tpu.memory_space<vmem>>
    %dma_wait3A_123 = tpu.memref_squeeze %dma_wait3A_122 : memref<1x128xi32, #tpu.memory_space<vmem>> -> memref<128xi32, #tpu.memory_space<vmem>>
    %dma_wait3A_124 = arith.constant 0 : i32
    %dma_wait3A_125 = tpu.memref_slice %arg3[%dma_wait3A_124] : memref<819200xi32, #tpu.memory_space<hbm>> -> memref<128xi32, #tpu.memory_space<hbm>>
    tpu.wait_dma2 semaphore(%arg14 : memref<!tpu.dma_semaphore, #tpu.memory_space<semaphore_mem>>) src(%dma_wait3A_125 : memref<128xi32, #tpu.memory_space<hbm>>) dst(%dma_wait3A_123 : memref<128xi32, #tpu.memory_space<vmem>>)
    %dma_start3A_126 = arith.constant 0 : i32
    %dma_start3A_127 = arith.constant 0 : i32
    %dma_start3A_128 = arith.constant 0 : i32
    %dma_start3A_129 = arith.constant 0 : i32
    %dma_start3A_130 = tpu.memref_slice %arg10[%dma_start3A_127, %dma_start3A_128, %dma_start3A_129] : memref<2x128x128xf32, #tpu.memory_space<vmem>> -> memref<1x128x128xf32, #tpu.memory_space<vmem>>
    %dma_start3A_131 = tpu.memref_squeeze %dma_start3A_130 : memref<1x128x128xf32, #tpu.memory_space<vmem>> -> memref<128x128xf32, #tpu.memory_space<vmem>>
    %dma_start3A_132 = arith.constant 0 : i32
    %dma_start3A_133 = tpu.memref_slice %arg8[%dma_start3A_126, %dma_start3A_132] : memref<2x128xi32, #tpu.memory_space<vmem>> -> memref<1x128xi32, #tpu.memory_space<vmem>>
    %dma_start3A_134 = tpu.memref_squeeze %dma_start3A_133 : memref<1x128xi32, #tpu.memory_space<vmem>> -> memref<128xi32, #tpu.memory_space<vmem>>
    %dma_start3A_135 = arith.constant 0 : i32
    %dma_start3A_136 = arith.constant 0 : i32
    %dma_start3A_137 = tpu.memref_slice %arg13[%dma_start3A_135, %dma_start3A_136] : memref<1000x128xf32, #tpu.memory_space<vmem_shared>> -> memref<1000x128xf32, #tpu.memory_space<vmem_shared>>
    tpu.enqueue_indirect_dma source(%dma_start3A_137 : memref<1000x128xf32, #tpu.memory_space<vmem_shared>>) target(%dma_start3A_131 : memref<128x128xf32, #tpu.memory_space<vmem>>) offsets(%dma_start3A_134 : memref<128xi32, #tpu.memory_space<vmem>>) semaphore(%arg18 : memref<!tpu.dma_semaphore, #tpu.memory_space<semaphore_mem>>)
    %scan3A = arith.constant 0 : i32
    %scan3A_138 = arith.constant 100 : i32
    %scan3A_139 = arith.addi %scan3A, %scan3A_138 : i32
    %scan3A_140 = arith.constant 1 : i32
    scf.for %scan3A_172 = %scan3A to %scan3A_139 step %scan3A_140  : i32 {
      %mul3A_173 = arith.constant 2 : i32
      %mul3A_174 = arith.muli %scan3A_172, %mul3A_173 : i32
      %add3A_175 = arith.constant 0 : i32
      %add3A_176 = arith.addi %add3A_175, %mul3A_174 : i32
      %add3A_177 = arith.constant 0 : i32
      %add3A_178 = arith.addi %add3A_176, %add3A_177 : i32
      %add3A_179 = arith.constant 1 : i32
      %add3A_180 = arith.addi %add3A_178, %add3A_179 : i32
      %lt3A = arith.constant 200 : i32
      %lt3A_181 = arith.cmpi slt, %add3A_180, %lt3A : i32
      %convert_element_type3A_182 = arith.extui %lt3A_181 : i1 to i32
      %cond3A_183 = arith.constant 0 : i32
      %cond3A_184 = arith.cmpi ne, %convert_element_type3A_182, %cond3A_183 : i32
      scf.if %cond3A_184 {
        %dma_wait3A_319 = arith.constant 1 : i32
        %dma_wait3A_320 = arith.constant 0 : i32
        %dma_wait3A_321 = tpu.memref_slice %arg8[%dma_wait3A_319, %dma_wait3A_320] : memref<2x128xi32, #tpu.memory_space<vmem>> -> memref<1x128xi32, #tpu.memory_space<vmem>>
        %dma_wait3A_322 = tpu.memref_squeeze %dma_wait3A_321 : memref<1x128xi32, #tpu.memory_space<vmem>> -> memref<128xi32, #tpu.memory_space<vmem>>
        %dma_wait3A_323 = arith.constant 0 : i32
        %dma_wait3A_324 = tpu.memref_slice %arg3[%dma_wait3A_323] : memref<819200xi32, #tpu.memory_space<hbm>> -> memref<128xi32, #tpu.memory_space<hbm>>
        %dma_wait3A_325 = arith.constant 0 : i32
        %dma_wait3A_326 = tpu.memref_slice %arg8[%dma_wait3A_319, %dma_wait3A_325] : memref<2x128xi32, #tpu.memory_space<vmem>> -> memref<1x128xi32, #tpu.memory_space<vmem>>
        %dma_wait3A_327 = tpu.memref_squeeze %dma_wait3A_326 : memref<1x128xi32, #tpu.memory_space<vmem>> -> memref<128xi32, #tpu.memory_space<vmem>>
        %dma_wait3A_328 = arith.constant 0 : i32
        %dma_wait3A_329 = tpu.memref_slice %arg3[%dma_wait3A_328] : memref<819200xi32, #tpu.memory_space<hbm>> -> memref<128xi32, #tpu.memory_space<hbm>>
        tpu.wait_dma2 semaphore(%arg15 : memref<!tpu.dma_semaphore, #tpu.memory_space<semaphore_mem>>) src(%dma_wait3A_329 : memref<128xi32, #tpu.memory_space<hbm>>) dst(%dma_wait3A_327 : memref<128xi32, #tpu.memory_space<vmem>>)
        %dma_start3A_330 = arith.constant 1 : i32
        %dma_start3A_331 = arith.constant 1 : i32
        %dma_start3A_332 = arith.constant 0 : i32
        %dma_start3A_333 = arith.constant 0 : i32
        %dma_start3A_334 = tpu.memref_slice %arg10[%dma_start3A_331, %dma_start3A_332, %dma_start3A_333] : memref<2x128x128xf32, #tpu.memory_space<vmem>> -> memref<1x128x128xf32, #tpu.memory_space<vmem>>
        %dma_start3A_335 = tpu.memref_squeeze %dma_start3A_334 : memref<1x128x128xf32, #tpu.memory_space<vmem>> -> memref<128x128xf32, #tpu.memory_space<vmem>>
        %dma_start3A_336 = arith.constant 0 : i32
        %dma_start3A_337 = tpu.memref_slice %arg8[%dma_start3A_330, %dma_start3A_336] : memref<2x128xi32, #tpu.memory_space<vmem>> -> memref<1x128xi32, #tpu.memory_space<vmem>>
        %dma_start3A_338 = tpu.memref_squeeze %dma_start3A_337 : memref<1x128xi32, #tpu.memory_space<vmem>> -> memref<128xi32, #tpu.memory_space<vmem>>
        %dma_start3A_339 = arith.constant 0 : i32
        %dma_start3A_340 = arith.constant 0 : i32
        %dma_start3A_341 = tpu.memref_slice %arg13[%dma_start3A_339, %dma_start3A_340] : memref<1000x128xf32, #tpu.memory_space<vmem_shared>> -> memref<1000x128xf32, #tpu.memory_space<vmem_shared>>
        tpu.enqueue_indirect_dma source(%dma_start3A_341 : memref<1000x128xf32, #tpu.memory_space<vmem_shared>>) target(%dma_start3A_335 : memref<128x128xf32, #tpu.memory_space<vmem>>) offsets(%dma_start3A_338 : memref<128xi32, #tpu.memory_space<vmem>>) semaphore(%arg19 : memref<!tpu.dma_semaphore, #tpu.memory_space<semaphore_mem>>)
      } else {
      }
      %dma_wait3A_185 = arith.constant 0 : i32
      %dma_wait3A_186 = arith.constant 0 : i32
      %dma_wait3A_187 = arith.constant 0 : i32
      %dma_wait3A_188 = tpu.memref_slice %arg9[%dma_wait3A_185, %dma_wait3A_186, %dma_wait3A_187] : memref<2x128x128xf32, #tpu.memory_space<vmem>> -> memref<1x128x128xf32, #tpu.memory_space<vmem>>
      %dma_wait3A_189 = tpu.memref_squeeze %dma_wait3A_188 : memref<1x128x128xf32, #tpu.memory_space<vmem>> -> memref<128x128xf32, #tpu.memory_space<vmem>>
      %dma_wait3A_190 = arith.constant 0 : i32
      %dma_wait3A_191 = arith.constant 0 : i32
      %dma_wait3A_192 = tpu.memref_slice %arg2[%dma_wait3A_190, %dma_wait3A_191] : memref<819200x128xf32, #tpu.memory_space<hbm>> -> memref<128x128xf32, #tpu.memory_space<hbm>>
      %dma_wait3A_193 = arith.constant 0 : i32
      %dma_wait3A_194 = arith.constant 0 : i32
      %dma_wait3A_195 = tpu.memref_slice %arg9[%dma_wait3A_185, %dma_wait3A_193, %dma_wait3A_194] : memref<2x128x128xf32, #tpu.memory_space<vmem>> -> memref<1x128x128xf32, #tpu.memory_space<vmem>>
      %dma_wait3A_196 = tpu.memref_squeeze %dma_wait3A_195 : memref<1x128x128xf32, #tpu.memory_space<vmem>> -> memref<128x128xf32, #tpu.memory_space<vmem>>
      %dma_wait3A_197 = arith.constant 0 : i32
      %dma_wait3A_198 = arith.constant 0 : i32
      %dma_wait3A_199 = tpu.memref_slice %arg2[%dma_wait3A_197, %dma_wait3A_198] : memref<819200x128xf32, #tpu.memory_space<hbm>> -> memref<128x128xf32, #tpu.memory_space<hbm>>
      tpu.wait_dma2 semaphore(%arg16 : memref<!tpu.dma_semaphore, #tpu.memory_space<semaphore_mem>>) src(%dma_wait3A_199 : memref<128x128xf32, #tpu.memory_space<hbm>>) dst(%dma_wait3A_196 : memref<128x128xf32, #tpu.memory_space<vmem>>)
      %dma_wait3A_200 = arith.constant 0 : i32
      %dma_wait3A_201 = arith.constant 0 : i32
      %dma_wait3A_202 = arith.constant 0 : i32
      %dma_wait3A_203 = arith.constant 0 : i32
      %dma_wait3A_204 = tpu.memref_slice %arg10[%dma_wait3A_201, %dma_wait3A_202, %dma_wait3A_203] : memref<2x128x128xf32, #tpu.memory_space<vmem>> -> memref<1x128x128xf32, #tpu.memory_space<vmem>>
      %dma_wait3A_205 = tpu.memref_squeeze %dma_wait3A_204 : memref<1x128x128xf32, #tpu.memory_space<vmem>> -> memref<128x128xf32, #tpu.memory_space<vmem>>
      %dma_wait3A_206 = arith.constant 0 : i32
      %dma_wait3A_207 = tpu.memref_slice %arg8[%dma_wait3A_200, %dma_wait3A_206] : memref<2x128xi32, #tpu.memory_space<vmem>> -> memref<1x128xi32, #tpu.memory_space<vmem>>
      %dma_wait3A_208 = tpu.memref_squeeze %dma_wait3A_207 : memref<1x128xi32, #tpu.memory_space<vmem>> -> memref<128xi32, #tpu.memory_space<vmem>>
      %dma_wait3A_209 = arith.constant 0 : i32
      %dma_wait3A_210 = arith.constant 0 : i32
      %dma_wait3A_211 = tpu.memref_slice %arg13[%dma_wait3A_209, %dma_wait3A_210] : memref<1000x128xf32, #tpu.memory_space<vmem_shared>> -> memref<1000x128xf32, #tpu.memory_space<vmem_shared>>
      tpu.wait_indirect_dma semaphore(%arg18 : memref<!tpu.dma_semaphore, #tpu.memory_space<semaphore_mem>>) src(%dma_wait3A_211 : memref<1000x128xf32, #tpu.memory_space<vmem_shared>>) dst(%dma_wait3A_205 : memref<128x128xf32, #tpu.memory_space<vmem>>)
      %ge3A = arith.constant 2 : i32
      %ge3A_212 = arith.cmpi sge, %add3A_178, %ge3A : i32
      %convert_element_type3A_213 = arith.extui %ge3A_212 : i1 to i32
      %cond3A_214 = arith.constant 0 : i32
      %cond3A_215 = arith.cmpi ne, %convert_element_type3A_213, %cond3A_214 : i32
      scf.if %cond3A_215 {
        %dma_wait3A_319 = arith.constant 0 : i32
        %dma_wait3A_320 = arith.constant 0 : i32
        %dma_wait3A_321 = arith.constant 0 : i32
        %dma_wait3A_322 = tpu.memref_slice %arg11[%dma_wait3A_319, %dma_wait3A_320, %dma_wait3A_321] : memref<2x128x128xf32, #tpu.memory_space<vmem>> -> memref<1x128x128xf32, #tpu.memory_space<vmem>>
        %dma_wait3A_323 = tpu.memref_squeeze %dma_wait3A_322 : memref<1x128x128xf32, #tpu.memory_space<vmem>> -> memref<128x128xf32, #tpu.memory_space<vmem>>
        %dma_wait3A_324 = arith.constant 0 : i32
        %dma_wait3A_325 = arith.constant 0 : i32
        %dma_wait3A_326 = tpu.memref_slice %arg7[%dma_wait3A_324, %dma_wait3A_325] : memref<819200x128xf32, #tpu.memory_space<hbm>> -> memref<128x128xf32, #tpu.memory_space<hbm>>
        %dma_wait3A_327 = arith.constant 0 : i32
        %dma_wait3A_328 = arith.constant 0 : i32
        %dma_wait3A_329 = tpu.memref_slice %arg7[%dma_wait3A_327, %dma_wait3A_328] : memref<819200x128xf32, #tpu.memory_space<hbm>> -> memref<128x128xf32, #tpu.memory_space<hbm>>
        %dma_wait3A_330 = arith.constant 0 : i32
        %dma_wait3A_331 = arith.constant 0 : i32
        %dma_wait3A_332 = tpu.memref_slice %arg11[%dma_wait3A_319, %dma_wait3A_330, %dma_wait3A_331] : memref<2x128x128xf32, #tpu.memory_space<vmem>> -> memref<1x128x128xf32, #tpu.memory_space<vmem>>
        %dma_wait3A_333 = tpu.memref_squeeze %dma_wait3A_332 : memref<1x128x128xf32, #tpu.memory_space<vmem>> -> memref<128x128xf32, #tpu.memory_space<vmem>>
        tpu.wait_dma2 semaphore(%arg20 : memref<!tpu.dma_semaphore, #tpu.memory_space<semaphore_mem>>) src(%dma_wait3A_333 : memref<128x128xf32, #tpu.memory_space<vmem>>) dst(%dma_wait3A_329 : memref<128x128xf32, #tpu.memory_space<hbm>>)
      } else {
      }
      %scan3A_216 = arith.constant 0 : i32
      %scan3A_217 = arith.constant 0 : i32
      %scan3A_218 = arith.constant 0 : i32
      %scan3A_219 = arith.constant 0 : i32
      %scan3A_220 = arith.constant 128 : i32
      %scan3A_221 = arith.addi %scan3A_219, %scan3A_220 : i32
      %scan3A_222 = arith.constant 1 : i32
      scf.for %scan3A_319 = %scan3A_219 to %scan3A_221 step %scan3A_222  : i32 {
        %mul3A_320 = arith.constant 1 : i32
        %mul3A_321 = arith.muli %scan3A_319, %mul3A_320 : i32
        %add3A_322 = arith.constant 0 : i32
        %add3A_323 = arith.addi %add3A_322, %mul3A_321 : i32
        %get3A_324 = arith.constant 0 : i32
        %get3A_325 = arith.constant 0 : i32
        %get3A_326 = tpu.memref_slice %arg9[%scan3A_216, %get3A_324, %get3A_325] : memref<2x128x128xf32, #tpu.memory_space<vmem>> -> memref<1x128x128xf32, #tpu.memory_space<vmem>>
        %get3A_327 = tpu.memref_squeeze %get3A_326 : memref<1x128x128xf32, #tpu.memory_space<vmem>> -> memref<128x128xf32, #tpu.memory_space<vmem>>
        %get3A_328 = arith.index_cast %add3A_323 : i32 to index
        %get3A_329 = arith.constant 0 : index
        %get3A_330 = tpu.vector_load %get3A_327[%get3A_328, %get3A_329] {strides = array<i32>} : memref<128x128xf32, #tpu.memory_space<vmem>>, vector<16xf32>,
        %get3A_331 = arith.constant 0 : i32
        %get3A_332 = arith.constant 0 : i32
        %get3A_333 = tpu.memref_slice %arg10[%scan3A_217, %get3A_331, %get3A_332] : memref<2x128x128xf32, #tpu.memory_space<vmem>> -> memref<1x128x128xf32, #tpu.memory_space<vmem>>
        %get3A_334 = tpu.memref_squeeze %get3A_333 : memref<1x128x128xf32, #tpu.memory_space<vmem>> -> memref<128x128xf32, #tpu.memory_space<vmem>>
        %get3A_335 = arith.index_cast %add3A_323 : i32 to index
        %get3A_336 = arith.constant 0 : index
        %get3A_337 = tpu.vector_load %get3A_334[%get3A_335, %get3A_336] {strides = array<i32>} : memref<128x128xf32, #tpu.memory_space<vmem>>, vector<16xf32>,
        %add3A_338 = arith.addf %get3A_330, %get3A_337 : vector<16xf32>
        %get3A_339 = arith.constant 0 : i32
        %get3A_340 = arith.constant 0 : i32
        %get3A_341 = tpu.memref_slice %arg9[%scan3A_216, %get3A_339, %get3A_340] : memref<2x128x128xf32, #tpu.memory_space<vmem>> -> memref<1x128x128xf32, #tpu.memory_space<vmem>>
        %get3A_342 = tpu.memref_squeeze %get3A_341 : memref<1x128x128xf32, #tpu.memory_space<vmem>> -> memref<128x128xf32, #tpu.memory_space<vmem>>
        %get3A_343 = arith.index_cast %add3A_323 : i32 to index
        %get3A_344 = arith.constant 16 : index
        %get3A_345 = tpu.vector_load %get3A_342[%get3A_343, %get3A_344] {strides = array<i32>} : memref<128x128xf32, #tpu.memory_space<vmem>>, vector<16xf32>,
        %get3A_346 = arith.constant 0 : i32
        %get3A_347 = arith.constant 0 : i32
        %get3A_348 = tpu.memref_slice %arg10[%scan3A_217, %get3A_346, %get3A_347] : memref<2x128x128xf32, #tpu.memory_space<vmem>> -> memref<1x128x128xf32, #tpu.memory_space<vmem>>
        %get3A_349 = tpu.memref_squeeze %get3A_348 : memref<1x128x128xf32, #tpu.memory_space<vmem>> -> memref<128x128xf32, #tpu.memory_space<vmem>>
        %get3A_350 = arith.index_cast %add3A_323 : i32 to index
        %get3A_351 = arith.constant 16 : index
        %get3A_352 = tpu.vector_load %get3A_349[%get3A_350, %get3A_351] {strides = array<i32>} : memref<128x128xf32, #tpu.memory_space<vmem>>, vector<16xf32>,
        %add3A_353 = arith.addf %get3A_345, %get3A_352 : vector<16xf32>
        %get3A_354 = arith.constant 0 : i32
        %get3A_355 = arith.constant 0 : i32
        %get3A_356 = tpu.memref_slice %arg9[%scan3A_216, %get3A_354, %get3A_355] : memref<2x128x128xf32, #tpu.memory_space<vmem>> -> memref<1x128x128xf32, #tpu.memory_space<vmem>>
        %get3A_357 = tpu.memref_squeeze %get3A_356 : memref<1x128x128xf32, #tpu.memory_space<vmem>> -> memref<128x128xf32, #tpu.memory_space<vmem>>
        %get3A_358 = arith.index_cast %add3A_323 : i32 to index
        %get3A_359 = arith.constant 32 : index
        %get3A_360 = tpu.vector_load %get3A_357[%get3A_358, %get3A_359] {strides = array<i32>} : memref<128x128xf32, #tpu.memory_space<vmem>>, vector<16xf32>,
        %get3A_361 = arith.constant 0 : i32
        %get3A_362 = arith.constant 0 : i32
        %get3A_363 = tpu.memref_slice %arg10[%scan3A_217, %get3A_361, %get3A_362] : memref<2x128x128xf32, #tpu.memory_space<vmem>> -> memref<1x128x128xf32, #tpu.memory_space<vmem>>
        %get3A_364 = tpu.memref_squeeze %get3A_363 : memref<1x128x128xf32, #tpu.memory_space<vmem>> -> memref<128x128xf32, #tpu.memory_space<vmem>>
        %get3A_365 = arith.index_cast %add3A_323 : i32 to index
        %get3A_366 = arith.constant 32 : index
        %get3A_367 = tpu.vector_load %get3A_364[%get3A_365, %get3A_366] {strides = array<i32>} : memref<128x128xf32, #tpu.memory_space<vmem>>, vector<16xf32>,
        %add3A_368 = arith.addf %get3A_360, %get3A_367 : vector<16xf32>
        %get3A_369 = arith.constant 0 : i32
        %get3A_370 = arith.constant 0 : i32
        %get3A_371 = tpu.memref_slice %arg9[%scan3A_216, %get3A_369, %get3A_370] : memref<2x128x128xf32, #tpu.memory_space<vmem>> -> memref<1x128x128xf32, #tpu.memory_space<vmem>>
        %get3A_372 = tpu.memref_squeeze %get3A_371 : memref<1x128x128xf32, #tpu.memory_space<vmem>> -> memref<128x128xf32, #tpu.memory_space<vmem>>
        %get3A_373 = arith.index_cast %add3A_323 : i32 to index
        %get3A_374 = arith.constant 48 : index
        %get3A_375 = tpu.vector_load %get3A_372[%get3A_373, %get3A_374] {strides = array<i32>} : memref<128x128xf32, #tpu.memory_space<vmem>>, vector<16xf32>,
        %get3A_376 = arith.constant 0 : i32
        %get3A_377 = arith.constant 0 : i32
        %get3A_378 = tpu.memref_slice %arg10[%scan3A_217, %get3A_376, %get3A_377] : memref<2x128x128xf32, #tpu.memory_space<vmem>> -> memref<1x128x128xf32, #tpu.memory_space<vmem>>
        %get3A_379 = tpu.memref_squeeze %get3A_378 : memref<1x128x128xf32, #tpu.memory_space<vmem>> -> memref<128x128xf32, #tpu.memory_space<vmem>>
        %get3A_380 = arith.index_cast %add3A_323 : i32 to index
        %get3A_381 = arith.constant 48 : index
        %get3A_382 = tpu.vector_load %get3A_379[%get3A_380, %get3A_381] {strides = array<i32>} : memref<128x128xf32, #tpu.memory_space<vmem>>, vector<16xf32>,
        %add3A_383 = arith.addf %get3A_375, %get3A_382 : vector<16xf32>
        %get3A_384 = arith.constant 0 : i32
        %get3A_385 = arith.constant 0 : i32
        %get3A_386 = tpu.memref_slice %arg9[%scan3A_216, %get3A_384, %get3A_385] : memref<2x128x128xf32, #tpu.memory_space<vmem>> -> memref<1x128x128xf32, #tpu.memory_space<vmem>>
        %get3A_387 = tpu.memref_squeeze %get3A_386 : memref<1x128x128xf32, #tpu.memory_space<vmem>> -> memref<128x128xf32, #tpu.memory_space<vmem>>
        %get3A_388 = arith.index_cast %add3A_323 : i32 to index
        %get3A_389 = arith.constant 64 : index
        %get3A_390 = tpu.vector_load %get3A_387[%get3A_388, %get3A_389] {strides = array<i32>} : memref<128x128xf32, #tpu.memory_space<vmem>>, vector<16xf32>,
        %get3A_391 = arith.constant 0 : i32
        %get3A_392 = arith.constant 0 : i32
        %get3A_393 = tpu.memref_slice %arg10[%scan3A_217, %get3A_391, %get3A_392] : memref<2x128x128xf32, #tpu.memory_space<vmem>> -> memref<1x128x128xf32, #tpu.memory_space<vmem>>
        %get3A_394 = tpu.memref_squeeze %get3A_393 : memref<1x128x128xf32, #tpu.memory_space<vmem>> -> memref<128x128xf32, #tpu.memory_space<vmem>>
        %get3A_395 = arith.index_cast %add3A_323 : i32 to index
        %get3A_396 = arith.constant 64 : index
        %get3A_397 = tpu.vector_load %get3A_394[%get3A_395, %get3A_396] {strides = array<i32>} : memref<128x128xf32, #tpu.memory_space<vmem>>, vector<16xf32>,
        %add3A_398 = arith.addf %get3A_390, %get3A_397 : vector<16xf32>
        %get3A_399 = arith.constant 0 : i32
        %get3A_400 = arith.constant 0 : i32
        %get3A_401 = tpu.memref_slice %arg9[%scan3A_216, %get3A_399, %get3A_400] : memref<2x128x128xf32, #tpu.memory_space<vmem>> -> memref<1x128x128xf32, #tpu.memory_space<vmem>>
        %get3A_402 = tpu.memref_squeeze %get3A_401 : memref<1x128x128xf32, #tpu.memory_space<vmem>> -> memref<128x128xf32, #tpu.memory_space<vmem>>
        %get3A_403 = arith.index_cast %add3A_323 : i32 to index
        %get3A_404 = arith.constant 80 : index
        %get3A_405 = tpu.vector_load %get3A_402[%get3A_403, %get3A_404] {strides = array<i32>} : memref<128x128xf32, #tpu.memory_space<vmem>>, vector<16xf32>,
        %get3A_406 = arith.constant 0 : i32
        %get3A_407 = arith.constant 0 : i32
        %get3A_408 = tpu.memref_slice %arg10[%scan3A_217, %get3A_406, %get3A_407] : memref<2x128x128xf32, #tpu.memory_space<vmem>> -> memref<1x128x128xf32, #tpu.memory_space<vmem>>
        %get3A_409 = tpu.memref_squeeze %get3A_408 : memref<1x128x128xf32, #tpu.memory_space<vmem>> -> memref<128x128xf32, #tpu.memory_space<vmem>>
        %get3A_410 = arith.index_cast %add3A_323 : i32 to index
        %get3A_411 = arith.constant 80 : index
        %get3A_412 = tpu.vector_load %get3A_409[%get3A_410, %get3A_411] {strides = array<i32>} : memref<128x128xf32, #tpu.memory_space<vmem>>, vector<16xf32>,
        %add3A_413 = arith.addf %get3A_405, %get3A_412 : vector<16xf32>
        %get3A_414 = arith.constant 0 : i32
        %get3A_415 = arith.constant 0 : i32
        %get3A_416 = tpu.memref_slice %arg9[%scan3A_216, %get3A_414, %get3A_415] : memref<2x128x128xf32, #tpu.memory_space<vmem>> -> memref<1x128x128xf32, #tpu.memory_space<vmem>>
        %get3A_417 = tpu.memref_squeeze %get3A_416 : memref<1x128x128xf32, #tpu.memory_space<vmem>> -> memref<128x128xf32, #tpu.memory_space<vmem>>
        %get3A_418 = arith.index_cast %add3A_323 : i32 to index
        %get3A_419 = arith.constant 96 : index
        %get3A_420 = tpu.vector_load %get3A_417[%get3A_418, %get3A_419] {strides = array<i32>} : memref<128x128xf32, #tpu.memory_space<vmem>>, vector<16xf32>,
        %get3A_421 = arith.constant 0 : i32
        %get3A_422 = arith.constant 0 : i32
        %get3A_423 = tpu.memref_slice %arg10[%scan3A_217, %get3A_421, %get3A_422] : memref<2x128x128xf32, #tpu.memory_space<vmem>> -> memref<1x128x128xf32, #tpu.memory_space<vmem>>
        %get3A_424 = tpu.memref_squeeze %get3A_423 : memref<1x128x128xf32, #tpu.memory_space<vmem>> -> memref<128x128xf32, #tpu.memory_space<vmem>>
        %get3A_425 = arith.index_cast %add3A_323 : i32 to index
        %get3A_426 = arith.constant 96 : index
        %get3A_427 = tpu.vector_load %get3A_424[%get3A_425, %get3A_426] {strides = array<i32>} : memref<128x128xf32, #tpu.memory_space<vmem>>, vector<16xf32>,
        %add3A_428 = arith.addf %get3A_420, %get3A_427 : vector<16xf32>
        %get3A_429 = arith.constant 0 : i32
        %get3A_430 = arith.constant 0 : i32
        %get3A_431 = tpu.memref_slice %arg9[%scan3A_216, %get3A_429, %get3A_430] : memref<2x128x128xf32, #tpu.memory_space<vmem>> -> memref<1x128x128xf32, #tpu.memory_space<vmem>>
        %get3A_432 = tpu.memref_squeeze %get3A_431 : memref<1x128x128xf32, #tpu.memory_space<vmem>> -> memref<128x128xf32, #tpu.memory_space<vmem>>
        %get3A_433 = arith.index_cast %add3A_323 : i32 to index
        %get3A_434 = arith.constant 112 : index
        %get3A_435 = tpu.vector_load %get3A_432[%get3A_433, %get3A_434] {strides = array<i32>} : memref<128x128xf32, #tpu.memory_space<vmem>>, vector<16xf32>,
        %get3A_436 = arith.constant 0 : i32
        %get3A_437 = arith.constant 0 : i32
        %get3A_438 = tpu.memref_slice %arg10[%scan3A_217, %get3A_436, %get3A_437] : memref<2x128x128xf32, #tpu.memory_space<vmem>> -> memref<1x128x128xf32, #tpu.memory_space<vmem>>
        %get3A_439 = tpu.memref_squeeze %get3A_438 : memref<1x128x128xf32, #tpu.memory_space<vmem>> -> memref<128x128xf32, #tpu.memory_space<vmem>>
        %get3A_440 = arith.index_cast %add3A_323 : i32 to index
        %get3A_441 = arith.constant 112 : index
        %get3A_442 = tpu.vector_load %get3A_439[%get3A_440, %get3A_441] {strides = array<i32>} : memref<128x128xf32, #tpu.memory_space<vmem>>, vector<16xf32>,
        %add3A_443 = arith.addf %get3A_435, %get3A_442 : vector<16xf32>
        %mul3A_444 = arith.mulf %add3A_338, %add3A_338 : vector<16xf32>
        %mul3A_445 = arith.mulf %add3A_353, %add3A_353 : vector<16xf32>
        %mul3A_446 = arith.mulf %add3A_368, %add3A_368 : vector<16xf32>
        %mul3A_447 = arith.mulf %add3A_383, %add3A_383 : vector<16xf32>
        %mul3A_448 = arith.mulf %add3A_398, %add3A_398 : vector<16xf32>
        %mul3A_449 = arith.mulf %add3A_413, %add3A_413 : vector<16xf32>
        %mul3A_450 = arith.mulf %add3A_428, %add3A_428 : vector<16xf32>
        %mul3A_451 = arith.mulf %add3A_443, %add3A_443 : vector<16xf32>
        %add3A_452 = arith.addf %add3A_338, %add3A_353 : vector<16xf32>
        %add3A_453 = arith.addf %add3A_368, %add3A_383 : vector<16xf32>
        %add3A_454 = arith.addf %add3A_398, %add3A_413 : vector<16xf32>
        %add3A_455 = arith.addf %add3A_428, %add3A_443 : vector<16xf32>
        %add3A_456 = arith.addf %mul3A_444, %mul3A_445 : vector<16xf32>
        %add3A_457 = arith.addf %mul3A_446, %mul3A_447 : vector<16xf32>
        %add3A_458 = arith.addf %mul3A_448, %mul3A_449 : vector<16xf32>
        %add3A_459 = arith.addf %mul3A_450, %mul3A_451 : vector<16xf32>
        %add3A_460 = arith.addf %add3A_452, %add3A_453 : vector<16xf32>
        %add3A_461 = arith.addf %add3A_454, %add3A_455 : vector<16xf32>
        %add3A_462 = arith.addf %add3A_456, %add3A_457 : vector<16xf32>
        %add3A_463 = arith.addf %add3A_458, %add3A_459 : vector<16xf32>
        %add3A_464 = arith.addf %add3A_460, %add3A_461 : vector<16xf32>
        %add3A_465 = arith.addf %add3A_462, %add3A_463 : vector<16xf32>
        %reduce_sum3A = arith.constant true
        %reduce_sum3A_466 = vector.broadcast %reduce_sum3A : i1 to vector<16xi1>
        %reduce_sum3A_467 = tpu.scan <sum>, %add3A_464 masked %reduce_sum3A_466 : vector<16xf32>, vector<16xi1> -> vector<16xf32>
        %reduce_sum3A_468 = vector.extract %reduce_sum3A_467[15] : f32 from vector<16xf32>
        %reduce_sum3A_469 = arith.constant true
        %reduce_sum3A_470 = vector.broadcast %reduce_sum3A_469 : i1 to vector<16xi1>
        %reduce_sum3A_471 = tpu.scan <sum>, %add3A_465 masked %reduce_sum3A_470 : vector<16xf32>, vector<16xi1> -> vector<16xf32>
        %reduce_sum3A_472 = vector.extract %reduce_sum3A_471[15] : f32 from vector<16xf32>
        %broadcast_in_dim3A = vector.broadcast %reduce_sum3A_468 : f32 to vector<16xf32>
        %mul3A_473 = arith.constant 7.812500e-03 : f32
        %mul3A_474 = vector.broadcast %mul3A_473 : f32 to vector<16xf32>
        %mul3A_475 = arith.mulf %broadcast_in_dim3A, %mul3A_474 : vector<16xf32>
        %broadcast_in_dim3A_476 = vector.broadcast %reduce_sum3A_472 : f32 to vector<16xf32>
        %mul3A_477 = arith.constant 7.812500e-03 : f32
        %mul3A_478 = vector.broadcast %mul3A_477 : f32 to vector<16xf32>
        %mul3A_479 = arith.mulf %broadcast_in_dim3A_476, %mul3A_478 : vector<16xf32>
        %mul3A_480 = arith.mulf %mul3A_475, %mul3A_475 : vector<16xf32>
        %sub3A = arith.subf %mul3A_479, %mul3A_480 : vector<16xf32>
        %add3A_481 = arith.constant 9.99999974E-6 : f32
        %add3A_482 = vector.broadcast %add3A_481 : f32 to vector<16xf32>
        %add3A_483 = arith.addf %sub3A, %add3A_482 : vector<16xf32>
        %bitcast3A = vector.bitcast %add3A_483 : vector<16xf32> to vector<16xi32>
        %shift_right_logical3A = arith.constant 1 : i32
        %shift_right_logical3A_484 = vector.broadcast %shift_right_logical3A : i32 to vector<16xi32>
        %shift_right_logical3A_485 = arith.shrui %bitcast3A, %shift_right_logical3A_484 : vector<16xi32>
        %sub3A_486 = arith.constant 1597463007 : i32
        %sub3A_487 = vector.broadcast %sub3A_486 : i32 to vector<16xi32>
        %sub3A_488 = arith.subi %sub3A_487, %shift_right_logical3A_485 : vector<16xi32>
        %bitcast3A_489 = vector.bitcast %sub3A_488 : vector<16xi32> to vector<16xf32>
        %mul3A_490 = arith.constant 5.000000e-01 : f32
        %mul3A_491 = vector.broadcast %mul3A_490 : f32 to vector<16xf32>
        %mul3A_492 = arith.mulf %add3A_483, %mul3A_491 : vector<16xf32>
        %mul3A_493 = arith.mulf %mul3A_492, %bitcast3A_489 : vector<16xf32>
        %mul3A_494 = arith.mulf %mul3A_493, %bitcast3A_489 : vector<16xf32>
        %sub3A_495 = arith.constant 1.500000e+00 : f32
        %sub3A_496 = vector.broadcast %sub3A_495 : f32 to vector<16xf32>
        %sub3A_497 = arith.subf %sub3A_496, %mul3A_494 : vector<16xf32>
        %mul3A_498 = arith.mulf %bitcast3A_489, %sub3A_497 : vector<16xf32>
        %mul3A_499 = arith.mulf %mul3A_492, %mul3A_498 : vector<16xf32>
        %mul3A_500 = arith.mulf %mul3A_499, %mul3A_498 : vector<16xf32>
        %sub3A_501 = arith.constant 1.500000e+00 : f32
        %sub3A_502 = vector.broadcast %sub3A_501 : f32 to vector<16xf32>
        %sub3A_503 = arith.subf %sub3A_502, %mul3A_500 : vector<16xf32>
        %mul3A_504 = arith.mulf %mul3A_498, %sub3A_503 : vector<16xf32>
        %mul3A_505 = arith.mulf %mul3A_475, %mul3A_504 : vector<16xf32>
        %mul3A_506 = arith.mulf %mul3A_504, %get3A_8 : vector<16xf32>
        %mul3A_507 = arith.mulf %mul3A_505, %get3A_8 : vector<16xf32>
        %sub3A_508 = arith.subf %get3A_40, %mul3A_507 : vector<16xf32>
        %mul3A_509 = arith.mulf %add3A_338, %mul3A_506 : vector<16xf32>
        %add3A_510 = arith.addf %mul3A_509, %sub3A_508 : vector<16xf32>
        %swap3A = arith.constant 0 : i32
        %swap3A_511 = arith.constant 0 : i32
        %swap3A_512 = tpu.memref_slice %arg11[%scan3A_218, %swap3A, %swap3A_511] : memref<2x128x128xf32, #tpu.memory_space<vmem>> -> memref<1x128x128xf32, #tpu.memory_space<vmem>>
        %swap3A_513 = tpu.memref_squeeze %swap3A_512 : memref<1x128x128xf32, #tpu.memory_space<vmem>> -> memref<128x128xf32, #tpu.memory_space<vmem>>
        %swap3A_514 = arith.index_cast %add3A_323 : i32 to index
        %swap3A_515 = arith.constant 0 : index
        %swap3A_516 = tpu.vector_load %swap3A_513[%swap3A_514, %swap3A_515] {strides = array<i32>} : memref<128x128xf32, #tpu.memory_space<vmem>>, vector<16xf32>,
        tpu.vector_store %swap3A_513[%swap3A_514, %swap3A_515], %add3A_510 {strides = array<i32>} : memref<128x128xf32, #tpu.memory_space<vmem>>, vector<16xf32>,
        %mul3A_517 = arith.mulf %mul3A_504, %get3A_12 : vector<16xf32>
        %mul3A_518 = arith.mulf %mul3A_505, %get3A_12 : vector<16xf32>
        %sub3A_519 = arith.subf %get3A_44, %mul3A_518 : vector<16xf32>
        %mul3A_520 = arith.mulf %add3A_353, %mul3A_517 : vector<16xf32>
        %add3A_521 = arith.addf %mul3A_520, %sub3A_519 : vector<16xf32>
        %swap3A_522 = arith.constant 0 : i32
        %swap3A_523 = arith.constant 0 : i32
        %swap3A_524 = tpu.memref_slice %arg11[%scan3A_218, %swap3A_522, %swap3A_523] : memref<2x128x128xf32, #tpu.memory_space<vmem>> -> memref<1x128x128xf32, #tpu.memory_space<vmem>>
        %swap3A_525 = tpu.memref_squeeze %swap3A_524 : memref<1x128x128xf32, #tpu.memory_space<vmem>> -> memref<128x128xf32, #tpu.memory_space<vmem>>
        %swap3A_526 = arith.index_cast %add3A_323 : i32 to index
        %swap3A_527 = arith.constant 16 : index
        %swap3A_528 = tpu.vector_load %swap3A_525[%swap3A_526, %swap3A_527] {strides = array<i32>} : memref<128x128xf32, #tpu.memory_space<vmem>>, vector<16xf32>,
        tpu.vector_store %swap3A_525[%swap3A_526, %swap3A_527], %add3A_521 {strides = array<i32>} : memref<128x128xf32, #tpu.memory_space<vmem>>, vector<16xf32>,
        %mul3A_529 = arith.mulf %mul3A_504, %get3A_16 : vector<16xf32>
        %mul3A_530 = arith.mulf %mul3A_505, %get3A_16 : vector<16xf32>
        %sub3A_531 = arith.subf %get3A_48, %mul3A_530 : vector<16xf32>
        %mul3A_532 = arith.mulf %add3A_368, %mul3A_529 : vector<16xf32>
        %add3A_533 = arith.addf %mul3A_532, %sub3A_531 : vector<16xf32>
        %swap3A_534 = arith.constant 0 : i32
        %swap3A_535 = arith.constant 0 : i32
        %swap3A_536 = tpu.memref_slice %arg11[%scan3A_218, %swap3A_534, %swap3A_535] : memref<2x128x128xf32, #tpu.memory_space<vmem>> -> memref<1x128x128xf32, #tpu.memory_space<vmem>>
        %swap3A_537 = tpu.memref_squeeze %swap3A_536 : memref<1x128x128xf32, #tpu.memory_space<vmem>> -> memref<128x128xf32, #tpu.memory_space<vmem>>
        %swap3A_538 = arith.index_cast %add3A_323 : i32 to index
        %swap3A_539 = arith.constant 32 : index
        %swap3A_540 = tpu.vector_load %swap3A_537[%swap3A_538, %swap3A_539] {strides = array<i32>} : memref<128x128xf32, #tpu.memory_space<vmem>>, vector<16xf32>,
        tpu.vector_store %swap3A_537[%swap3A_538, %swap3A_539], %add3A_533 {strides = array<i32>} : memref<128x128xf32, #tpu.memory_space<vmem>>, vector<16xf32>,
        %mul3A_541 = arith.mulf %mul3A_504, %get3A_20 : vector<16xf32>
        %mul3A_542 = arith.mulf %mul3A_505, %get3A_20 : vector<16xf32>
        %sub3A_543 = arith.subf %get3A_52, %mul3A_542 : vector<16xf32>
        %mul3A_544 = arith.mulf %add3A_383, %mul3A_541 : vector<16xf32>
        %add3A_545 = arith.addf %mul3A_544, %sub3A_543 : vector<16xf32>
        %swap3A_546 = arith.constant 0 : i32
        %swap3A_547 = arith.constant 0 : i32
        %swap3A_548 = tpu.memref_slice %arg11[%scan3A_218, %swap3A_546, %swap3A_547] : memref<2x128x128xf32, #tpu.memory_space<vmem>> -> memref<1x128x128xf32, #tpu.memory_space<vmem>>
        %swap3A_549 = tpu.memref_squeeze %swap3A_548 : memref<1x128x128xf32, #tpu.memory_space<vmem>> -> memref<128x128xf32, #tpu.memory_space<vmem>>
        %swap3A_550 = arith.index_cast %add3A_323 : i32 to index
        %swap3A_551 = arith.constant 48 : index
        %swap3A_552 = tpu.vector_load %swap3A_549[%swap3A_550, %swap3A_551] {strides = array<i32>} : memref<128x128xf32, #tpu.memory_space<vmem>>, vector<16xf32>,
        tpu.vector_store %swap3A_549[%swap3A_550, %swap3A_551], %add3A_545 {strides = array<i32>} : memref<128x128xf32, #tpu.memory_space<vmem>>, vector<16xf32>,
        %mul3A_553 = arith.mulf %mul3A_504, %get3A_24 : vector<16xf32>
        %mul3A_554 = arith.mulf %mul3A_505, %get3A_24 : vector<16xf32>
        %sub3A_555 = arith.subf %get3A_56, %mul3A_554 : vector<16xf32>
        %mul3A_556 = arith.mulf %add3A_398, %mul3A_553 : vector<16xf32>
        %add3A_557 = arith.addf %mul3A_556, %sub3A_555 : vector<16xf32>
        %swap3A_558 = arith.constant 0 : i32
        %swap3A_559 = arith.constant 0 : i32
        %swap3A_560 = tpu.memref_slice %arg11[%scan3A_218, %swap3A_558, %swap3A_559] : memref<2x128x128xf32, #tpu.memory_space<vmem>> -> memref<1x128x128xf32, #tpu.memory_space<vmem>>
        %swap3A_561 = tpu.memref_squeeze %swap3A_560 : memref<1x128x128xf32, #tpu.memory_space<vmem>> -> memref<128x128xf32, #tpu.memory_space<vmem>>
        %swap3A_562 = arith.index_cast %add3A_323 : i32 to index
        %swap3A_563 = arith.constant 64 : index
        %swap3A_564 = tpu.vector_load %swap3A_561[%swap3A_562, %swap3A_563] {strides = array<i32>} : memref<128x128xf32, #tpu.memory_space<vmem>>, vector<16xf32>,
        tpu.vector_store %swap3A_561[%swap3A_562, %swap3A_563], %add3A_557 {strides = array<i32>} : memref<128x128xf32, #tpu.memory_space<vmem>>, vector<16xf32>,
        %mul3A_565 = arith.mulf %mul3A_504, %get3A_28 : vector<16xf32>
        %mul3A_566 = arith.mulf %mul3A_505, %get3A_28 : vector<16xf32>
        %sub3A_567 = arith.subf %get3A_60, %mul3A_566 : vector<16xf32>
        %mul3A_568 = arith.mulf %add3A_413, %mul3A_565 : vector<16xf32>
        %add3A_569 = arith.addf %mul3A_568, %sub3A_567 : vector<16xf32>
        %swap3A_570 = arith.constant 0 : i32
        %swap3A_571 = arith.constant 0 : i32
        %swap3A_572 = tpu.memref_slice %arg11[%scan3A_218, %swap3A_570, %swap3A_571] : memref<2x128x128xf32, #tpu.memory_space<vmem>> -> memref<1x128x128xf32, #tpu.memory_space<vmem>>
        %swap3A_573 = tpu.memref_squeeze %swap3A_572 : memref<1x128x128xf32, #tpu.memory_space<vmem>> -> memref<128x128xf32, #tpu.memory_space<vmem>>
        %swap3A_574 = arith.index_cast %add3A_323 : i32 to index
        %swap3A_575 = arith.constant 80 : index
        %swap3A_576 = tpu.vector_load %swap3A_573[%swap3A_574, %swap3A_575] {strides = array<i32>} : memref<128x128xf32, #tpu.memory_space<vmem>>, vector<16xf32>,
        tpu.vector_store %swap3A_573[%swap3A_574, %swap3A_575], %add3A_569 {strides = array<i32>} : memref<128x128xf32, #tpu.memory_space<vmem>>, vector<16xf32>,
        %mul3A_577 = arith.mulf %mul3A_504, %get3A_32 : vector<16xf32>
        %mul3A_578 = arith.mulf %mul3A_505, %get3A_32 : vector<16xf32>
        %sub3A_579 = arith.subf %get3A_64, %mul3A_578 : vector<16xf32>
        %mul3A_580 = arith.mulf %add3A_428, %mul3A_577 : vector<16xf32>
        %add3A_581 = arith.addf %mul3A_580, %sub3A_579 : vector<16xf32>
        %swap3A_582 = arith.constant 0 : i32
        %swap3A_583 = arith.constant 0 : i32
        %swap3A_584 = tpu.memref_slice %arg11[%scan3A_218, %swap3A_582, %swap3A_583] : memref<2x128x128xf32, #tpu.memory_space<vmem>> -> memref<1x128x128xf32, #tpu.memory_space<vmem>>
        %swap3A_585 = tpu.memref_squeeze %swap3A_584 : memref<1x128x128xf32, #tpu.memory_space<vmem>> -> memref<128x128xf32, #tpu.memory_space<vmem>>
        %swap3A_586 = arith.index_cast %add3A_323 : i32 to index
        %swap3A_587 = arith.constant 96 : index
        %swap3A_588 = tpu.vector_load %swap3A_585[%swap3A_586, %swap3A_587] {strides = array<i32>} : memref<128x128xf32, #tpu.memory_space<vmem>>, vector<16xf32>,
        tpu.vector_store %swap3A_585[%swap3A_586, %swap3A_587], %add3A_581 {strides = array<i32>} : memref<128x128xf32, #tpu.memory_space<vmem>>, vector<16xf32>,
        %mul3A_589 = arith.mulf %mul3A_504, %get3A_36 : vector<16xf32>
        %mul3A_590 = arith.mulf %mul3A_505, %get3A_36 : vector<16xf32>
        %sub3A_591 = arith.subf %get3A_68, %mul3A_590 : vector<16xf32>
        %mul3A_592 = arith.mulf %add3A_443, %mul3A_589 : vector<16xf32>
        %add3A_593 = arith.addf %mul3A_592, %sub3A_591 : vector<16xf32>
        %swap3A_594 = arith.constant 0 : i32
        %swap3A_595 = arith.constant 0 : i32
        %swap3A_596 = tpu.memref_slice %arg11[%scan3A_218, %swap3A_594, %swap3A_595] : memref<2x128x128xf32, #tpu.memory_space<vmem>> -> memref<1x128x128xf32, #tpu.memory_space<vmem>>
        %swap3A_597 = tpu.memref_squeeze %swap3A_596 : memref<1x128x128xf32, #tpu.memory_space<vmem>> -> memref<128x128xf32, #tpu.memory_space<vmem>>
        %swap3A_598 = arith.index_cast %add3A_323 : i32 to index
        %swap3A_599 = arith.constant 112 : index
        %swap3A_600 = tpu.vector_load %swap3A_597[%swap3A_598, %swap3A_599] {strides = array<i32>} : memref<128x128xf32, #tpu.memory_space<vmem>>, vector<16xf32>,
        tpu.vector_store %swap3A_597[%swap3A_598, %swap3A_599], %add3A_593 {strides = array<i32>} : memref<128x128xf32, #tpu.memory_space<vmem>>, vector<16xf32>,
      }
      %scan3A_223 = arith.constant 128 : i32
      %mul3A_224 = arith.constant 128 : i32
      %mul3A_225 = arith.muli %add3A_178, %mul3A_224 : i32
      %add3A_226 = arith.addi %mul3A_2, %mul3A_225 : i32
      %dma_start3A_227 = arith.constant 0 : i32
      %dma_start3A_228 = arith.constant 0 : i32
      %dma_start3A_229 = arith.constant 0 : i32
      %dma_start3A_230 = tpu.memref_slice %arg11[%dma_start3A_227, %dma_start3A_228, %dma_start3A_229] : memref<2x128x128xf32, #tpu.memory_space<vmem>> -> memref<1x128x128xf32, #tpu.memory_space<vmem>>
      %dma_start3A_231 = tpu.memref_squeeze %dma_start3A_230 : memref<1x128x128xf32, #tpu.memory_space<vmem>> -> memref<128x128xf32, #tpu.memory_space<vmem>>
      %dma_start3A_232 = arith.constant 0 : i32
      %dma_start3A_233 = tpu.memref_slice %arg7[%add3A_226, %dma_start3A_232] : memref<819200x128xf32, #tpu.memory_space<hbm>> -> memref<128x128xf32, #tpu.memory_space<hbm>>
      %dma_start3A_234 = arith.constant 0 : i32
      %dma_start3A_235 = tpu.memref_slice %arg7[%add3A_226, %dma_start3A_234] : memref<819200x128xf32, #tpu.memory_space<hbm>> -> memref<128x128xf32, #tpu.memory_space<hbm>>
      %dma_start3A_236 = arith.constant 0 : i32
      %dma_start3A_237 = arith.constant 0 : i32
      %dma_start3A_238 = tpu.memref_slice %arg11[%dma_start3A_227, %dma_start3A_236, %dma_start3A_237] : memref<2x128x128xf32, #tpu.memory_space<vmem>> -> memref<1x128x128xf32, #tpu.memory_space<vmem>>
      %dma_start3A_239 = tpu.memref_squeeze %dma_start3A_238 : memref<1x128x128xf32, #tpu.memory_space<vmem>> -> memref<128x128xf32, #tpu.memory_space<vmem>>
      tpu.enqueue_dma source(%dma_start3A_239 : memref<128x128xf32, #tpu.memory_space<vmem>>) target(%dma_start3A_235 : memref<128x128xf32, #tpu.memory_space<hbm>>) target_semaphore(%arg20 : memref<!tpu.dma_semaphore, #tpu.memory_space<semaphore_mem>>)
      %add3A_240 = arith.constant 2 : i32
      %add3A_241 = arith.addi %add3A_178, %add3A_240 : i32
      %lt3A_242 = arith.constant 200 : i32
      %lt3A_243 = arith.cmpi slt, %add3A_241, %lt3A_242 : i32
      %convert_element_type3A_244 = arith.extui %lt3A_243 : i1 to i32
      %cond3A_245 = arith.constant 0 : i32
      %cond3A_246 = arith.cmpi ne, %convert_element_type3A_244, %cond3A_245 : i32
      scf.if %cond3A_246 {
        %add3A_319 = arith.constant 2 : i32
        %add3A_320 = arith.addi %add3A_178, %add3A_319 : i32
        %mul3A_321 = arith.constant 128 : i32
        %mul3A_322 = arith.muli %add3A_320, %mul3A_321 : i32
        %add3A_323 = arith.addi %mul3A_2, %mul3A_322 : i32
        %dma_start3A_324 = arith.constant 0 : i32
        %dma_start3A_325 = arith.constant 0 : i32
        %dma_start3A_326 = tpu.memref_slice %arg8[%dma_start3A_324, %dma_start3A_325] : memref<2x128xi32, #tpu.memory_space<vmem>> -> memref<1x128xi32, #tpu.memory_space<vmem>>
        %dma_start3A_327 = tpu.memref_squeeze %dma_start3A_326 : memref<1x128xi32, #tpu.memory_space<vmem>> -> memref<128xi32, #tpu.memory_space<vmem>>
        %dma_start3A_328 = tpu.memref_slice %arg3[%add3A_323] : memref<819200xi32, #tpu.memory_space<hbm>> -> memref<128xi32, #tpu.memory_space<hbm>>
        %dma_start3A_329 = arith.constant 0 : i32
        %dma_start3A_330 = tpu.memref_slice %arg8[%dma_start3A_324, %dma_start3A_329] : memref<2x128xi32, #tpu.memory_space<vmem>> -> memref<1x128xi32, #tpu.memory_space<vmem>>
        %dma_start3A_331 = tpu.memref_squeeze %dma_start3A_330 : memref<1x128xi32, #tpu.memory_space<vmem>> -> memref<128xi32, #tpu.memory_space<vmem>>
        %dma_start3A_332 = tpu.memref_slice %arg3[%add3A_323] : memref<819200xi32, #tpu.memory_space<hbm>> -> memref<128xi32, #tpu.memory_space<hbm>>
        tpu.enqueue_dma source(%dma_start3A_332 : memref<128xi32, #tpu.memory_space<hbm>>) target(%dma_start3A_331 : memref<128xi32, #tpu.memory_space<vmem>>) target_semaphore(%arg14 : memref<!tpu.dma_semaphore, #tpu.memory_space<semaphore_mem>>)
        %dma_start3A_333 = arith.constant 0 : i32
        %dma_start3A_334 = arith.constant 0 : i32
        %dma_start3A_335 = arith.constant 0 : i32
        %dma_start3A_336 = tpu.memref_slice %arg9[%dma_start3A_333, %dma_start3A_334, %dma_start3A_335] : memref<2x128x128xf32, #tpu.memory_space<vmem>> -> memref<1x128x128xf32, #tpu.memory_space<vmem>>
        %dma_start3A_337 = tpu.memref_squeeze %dma_start3A_336 : memref<1x128x128xf32, #tpu.memory_space<vmem>> -> memref<128x128xf32, #tpu.memory_space<vmem>>
        %dma_start3A_338 = arith.constant 0 : i32
        %dma_start3A_339 = tpu.memref_slice %arg2[%add3A_323, %dma_start3A_338] : memref<819200x128xf32, #tpu.memory_space<hbm>> -> memref<128x128xf32, #tpu.memory_space<hbm>>
        %dma_start3A_340 = arith.constant 0 : i32
        %dma_start3A_341 = arith.constant 0 : i32
        %dma_start3A_342 = tpu.memref_slice %arg9[%dma_start3A_333, %dma_start3A_340, %dma_start3A_341] : memref<2x128x128xf32, #tpu.memory_space<vmem>> -> memref<1x128x128xf32, #tpu.memory_space<vmem>>
        %dma_start3A_343 = tpu.memref_squeeze %dma_start3A_342 : memref<1x128x128xf32, #tpu.memory_space<vmem>> -> memref<128x128xf32, #tpu.memory_space<vmem>>
        %dma_start3A_344 = arith.constant 0 : i32
        %dma_start3A_345 = tpu.memref_slice %arg2[%add3A_323, %dma_start3A_344] : memref<819200x128xf32, #tpu.memory_space<hbm>> -> memref<128x128xf32, #tpu.memory_space<hbm>>
        tpu.enqueue_dma source(%dma_start3A_345 : memref<128x128xf32, #tpu.memory_space<hbm>>) target(%dma_start3A_343 : memref<128x128xf32, #tpu.memory_space<vmem>>) target_semaphore(%arg16 : memref<!tpu.dma_semaphore, #tpu.memory_space<semaphore_mem>>)
      } else {
      }
      %add3A_247 = arith.constant 1 : i32
      %add3A_248 = arith.addi %add3A_176, %add3A_247 : i32
      %add3A_249 = arith.constant 1 : i32
      %add3A_250 = arith.addi %add3A_248, %add3A_249 : i32
      %lt3A_251 = arith.constant 200 : i32
      %lt3A_252 = arith.cmpi slt, %add3A_250, %lt3A_251 : i32
      %convert_element_type3A_253 = arith.extui %lt3A_252 : i1 to i32
      %cond3A_254 = arith.constant 0 : i32
      %cond3A_255 = arith.cmpi ne, %convert_element_type3A_253, %cond3A_254 : i32
      scf.if %cond3A_255 {
        %dma_wait3A_319 = arith.constant 0 : i32
        %dma_wait3A_320 = arith.constant 0 : i32
        %dma_wait3A_321 = tpu.memref_slice %arg8[%dma_wait3A_319, %dma_wait3A_320] : memref<2x128xi32, #tpu.memory_space<vmem>> -> memref<1x128xi32, #tpu.memory_space<vmem>>
        %dma_wait3A_322 = tpu.memref_squeeze %dma_wait3A_321 : memref<1x128xi32, #tpu.memory_space<vmem>> -> memref<128xi32, #tpu.memory_space<vmem>>
        %dma_wait3A_323 = arith.constant 0 : i32
        %dma_wait3A_324 = tpu.memref_slice %arg3[%dma_wait3A_323] : memref<819200xi32, #tpu.memory_space<hbm>> -> memref<128xi32, #tpu.memory_space<hbm>>
        %dma_wait3A_325 = arith.constant 0 : i32
        %dma_wait3A_326 = tpu.memref_slice %arg8[%dma_wait3A_319, %dma_wait3A_325] : memref<2x128xi32, #tpu.memory_space<vmem>> -> memref<1x128xi32, #tpu.memory_space<vmem>>
        %dma_wait3A_327 = tpu.memref_squeeze %dma_wait3A_326 : memref<1x128xi32, #tpu.memory_space<vmem>> -> memref<128xi32, #tpu.memory_space<vmem>>
        %dma_wait3A_328 = arith.constant 0 : i32
        %dma_wait3A_329 = tpu.memref_slice %arg3[%dma_wait3A_328] : memref<819200xi32, #tpu.memory_space<hbm>> -> memref<128xi32, #tpu.memory_space<hbm>>
        tpu.wait_dma2 semaphore(%arg14 : memref<!tpu.dma_semaphore, #tpu.memory_space<semaphore_mem>>) src(%dma_wait3A_329 : memref<128xi32, #tpu.memory_space<hbm>>) dst(%dma_wait3A_327 : memref<128xi32, #tpu.memory_space<vmem>>)
        %dma_start3A_330 = arith.constant 0 : i32
        %dma_start3A_331 = arith.constant 0 : i32
        %dma_start3A_332 = arith.constant 0 : i32
        %dma_start3A_333 = arith.constant 0 : i32
        %dma_start3A_334 = tpu.memref_slice %arg10[%dma_start3A_331, %dma_start3A_332, %dma_start3A_333] : memref<2x128x128xf32, #tpu.memory_space<vmem>> -> memref<1x128x128xf32, #tpu.memory_space<vmem>>
        %dma_start3A_335 = tpu.memref_squeeze %dma_start3A_334 : memref<1x128x128xf32, #tpu.memory_space<vmem>> -> memref<128x128xf32, #tpu.memory_space<vmem>>
        %dma_start3A_336 = arith.constant 0 : i32
        %dma_start3A_337 = tpu.memref_slice %arg8[%dma_start3A_330, %dma_start3A_336] : memref<2x128xi32, #tpu.memory_space<vmem>> -> memref<1x128xi32, #tpu.memory_space<vmem>>
        %dma_start3A_338 = tpu.memref_squeeze %dma_start3A_337 : memref<1x128xi32, #tpu.memory_space<vmem>> -> memref<128xi32, #tpu.memory_space<vmem>>
        %dma_start3A_339 = arith.constant 0 : i32
        %dma_start3A_340 = arith.constant 0 : i32
        %dma_start3A_341 = tpu.memref_slice %arg13[%dma_start3A_339, %dma_start3A_340] : memref<1000x128xf32, #tpu.memory_space<vmem_shared>> -> memref<1000x128xf32, #tpu.memory_space<vmem_shared>>
        tpu.enqueue_indirect_dma source(%dma_start3A_341 : memref<1000x128xf32, #tpu.memory_space<vmem_shared>>) target(%dma_start3A_335 : memref<128x128xf32, #tpu.memory_space<vmem>>) offsets(%dma_start3A_338 : memref<128xi32, #tpu.memory_space<vmem>>) semaphore(%arg18 : memref<!tpu.dma_semaphore, #tpu.memory_space<semaphore_mem>>)
      } else {
      }
      %dma_wait3A_256 = arith.constant 1 : i32
      %dma_wait3A_257 = arith.constant 0 : i32
      %dma_wait3A_258 = arith.constant 0 : i32
      %dma_wait3A_259 = tpu.memref_slice %arg9[%dma_wait3A_256, %dma_wait3A_257, %dma_wait3A_258] : memref<2x128x128xf32, #tpu.memory_space<vmem>> -> memref<1x128x128xf32, #tpu.memory_space<vmem>>
      %dma_wait3A_260 = tpu.memref_squeeze %dma_wait3A_259 : memref<1x128x128xf32, #tpu.memory_space<vmem>> -> memref<128x128xf32, #tpu.memory_space<vmem>>
      %dma_wait3A_261 = arith.constant 0 : i32
      %dma_wait3A_262 = arith.constant 0 : i32
      %dma_wait3A_263 = tpu.memref_slice %arg2[%dma_wait3A_261, %dma_wait3A_262] : memref<819200x128xf32, #tpu.memory_space<hbm>> -> memref<128x128xf32, #tpu.memory_space<hbm>>
      %dma_wait3A_264 = arith.constant 0 : i32
      %dma_wait3A_265 = arith.constant 0 : i32
      %dma_wait3A_266 = tpu.memref_slice %arg9[%dma_wait3A_256, %dma_wait3A_264, %dma_wait3A_265] : memref<2x128x128xf32, #tpu.memory_space<vmem>> -> memref<1x128x128xf32, #tpu.memory_space<vmem>>
      %dma_wait3A_267 = tpu.memref_squeeze %dma_wait3A_266 : memref<1x128x128xf32, #tpu.memory_space<vmem>> -> memref<128x128xf32, #tpu.memory_space<vmem>>
      %dma_wait3A_268 = arith.constant 0 : i32
      %dma_wait3A_269 = arith.constant 0 : i32
      %dma_wait3A_270 = tpu.memref_slice %arg2[%dma_wait3A_268, %dma_wait3A_269] : memref<819200x128xf32, #tpu.memory_space<hbm>> -> memref<128x128xf32, #tpu.memory_space<hbm>>
      tpu.wait_dma2 semaphore(%arg17 : memref<!tpu.dma_semaphore, #tpu.memory_space<semaphore_mem>>) src(%dma_wait3A_270 : memref<128x128xf32, #tpu.memory_space<hbm>>) dst(%dma_wait3A_267 : memref<128x128xf32, #tpu.memory_space<vmem>>)
      %dma_wait3A_271 = arith.constant 1 : i32
      %dma_wait3A_272 = arith.constant 1 : i32
      %dma_wait3A_273 = arith.constant 0 : i32
      %dma_wait3A_274 = arith.constant 0 : i32
      %dma_wait3A_275 = tpu.memref_slice %arg10[%dma_wait3A_272, %dma_wait3A_273, %dma_wait3A_274] : memref<2x128x128xf32, #tpu.memory_space<vmem>> -> memref<1x128x128xf32, #tpu.memory_space<vmem>>
      %dma_wait3A_276 = tpu.memref_squeeze %dma_wait3A_275 : memref<1x128x128xf32, #tpu.memory_space<vmem>> -> memref<128x128xf32, #tpu.memory_space<vmem>>
      %dma_wait3A_277 = arith.constant 0 : i32
      %dma_wait3A_278 = tpu.memref_slice %arg8[%dma_wait3A_271, %dma_wait3A_277] : memref<2x128xi32, #tpu.memory_space<vmem>> -> memref<1x128xi32, #tpu.memory_space<vmem>>
      %dma_wait3A_279 = tpu.memref_squeeze %dma_wait3A_278 : memref<1x128xi32, #tpu.memory_space<vmem>> -> memref<128xi32, #tpu.memory_space<vmem>>
      %dma_wait3A_280 = arith.constant 0 : i32
      %dma_wait3A_281 = arith.constant 0 : i32
      %dma_wait3A_282 = tpu.memref_slice %arg13[%dma_wait3A_280, %dma_wait3A_281] : memref<1000x128xf32, #tpu.memory_space<vmem_shared>> -> memref<1000x128xf32, #tpu.memory_space<vmem_shared>>
      tpu.wait_indirect_dma semaphore(%arg19 : memref<!tpu.dma_semaphore, #tpu.memory_space<semaphore_mem>>) src(%dma_wait3A_282 : memref<1000x128xf32, #tpu.memory_space<vmem_shared>>) dst(%dma_wait3A_276 : memref<128x128xf32, #tpu.memory_space<vmem>>)
      %ge3A_283 = arith.constant 2 : i32
      %ge3A_284 = arith.cmpi sge, %add3A_248, %ge3A_283 : i32
      %convert_element_type3A_285 = arith.extui %ge3A_284 : i1 to i32
      %cond3A_286 = arith.constant 0 : i32
      %cond3A_287 = arith.cmpi ne, %convert_element_type3A_285, %cond3A_286 : i32
      scf.if %cond3A_287 {
        %dma_wait3A_319 = arith.constant 1 : i32
        %dma_wait3A_320 = arith.constant 0 : i32
        %dma_wait3A_321 = arith.constant 0 : i32
        %dma_wait3A_322 = tpu.memref_slice %arg11[%dma_wait3A_319, %dma_wait3A_320, %dma_wait3A_321] : memref<2x128x128xf32, #tpu.memory_space<vmem>> -> memref<1x128x128xf32, #tpu.memory_space<vmem>>
        %dma_wait3A_323 = tpu.memref_squeeze %dma_wait3A_322 : memref<1x128x128xf32, #tpu.memory_space<vmem>> -> memref<128x128xf32, #tpu.memory_space<vmem>>
        %dma_wait3A_324 = arith.constant 0 : i32
        %dma_wait3A_325 = arith.constant 0 : i32
        %dma_wait3A_326 = tpu.memref_slice %arg7[%dma_wait3A_324, %dma_wait3A_325] : memref<819200x128xf32, #tpu.memory_space<hbm>> -> memref<128x128xf32, #tpu.memory_space<hbm>>
        %dma_wait3A_327 = arith.constant 0 : i32
        %dma_wait3A_328 = arith.constant 0 : i32
        %dma_wait3A_329 = tpu.memref_slice %arg7[%dma_wait3A_327, %dma_wait3A_328] : memref<819200x128xf32, #tpu.memory_space<hbm>> -> memref<128x128xf32, #tpu.memory_space<hbm>>
        %dma_wait3A_330 = arith.constant 0 : i32
        %dma_wait3A_331 = arith.constant 0 : i32
        %dma_wait3A_332 = tpu.memref_slice %arg11[%dma_wait3A_319, %dma_wait3A_330, %dma_wait3A_331] : memref<2x128x128xf32, #tpu.memory_space<vmem>> -> memref<1x128x128xf32, #tpu.memory_space<vmem>>
        %dma_wait3A_333 = tpu.memref_squeeze %dma_wait3A_332 : memref<1x128x128xf32, #tpu.memory_space<vmem>> -> memref<128x128xf32, #tpu.memory_space<vmem>>
        tpu.wait_dma2 semaphore(%arg21 : memref<!tpu.dma_semaphore, #tpu.memory_space<semaphore_mem>>) src(%dma_wait3A_333 : memref<128x128xf32, #tpu.memory_space<vmem>>) dst(%dma_wait3A_329 : memref<128x128xf32, #tpu.memory_space<hbm>>)
      } else {
      }
      %scan3A_288 = arith.constant 1 : i32
      %scan3A_289 = arith.constant 1 : i32
      %scan3A_290 = arith.constant 1 : i32
      %scan3A_291 = arith.constant 0 : i32
      %scan3A_292 = arith.constant 128 : i32
      %scan3A_293 = arith.addi %scan3A_291, %scan3A_292 : i32
      %scan3A_294 = arith.constant 1 : i32
      scf.for %scan3A_319 = %scan3A_291 to %scan3A_293 step %scan3A_294  : i32 {
        %mul3A_320 = arith.constant 1 : i32
        %mul3A_321 = arith.muli %scan3A_319, %mul3A_320 : i32
        %add3A_322 = arith.constant 0 : i32
        %add3A_323 = arith.addi %add3A_322, %mul3A_321 : i32
        %get3A_324 = arith.constant 0 : i32
        %get3A_325 = arith.constant 0 : i32
        %get3A_326 = tpu.memref_slice %arg9[%scan3A_288, %get3A_324, %get3A_325] : memref<2x128x128xf32, #tpu.memory_space<vmem>> -> memref<1x128x128xf32, #tpu.memory_space<vmem>>
        %get3A_327 = tpu.memref_squeeze %get3A_326 : memref<1x128x128xf32, #tpu.memory_space<vmem>> -> memref<128x128xf32, #tpu.memory_space<vmem>>
        %get3A_328 = arith.index_cast %add3A_323 : i32 to index
        %get3A_329 = arith.constant 0 : index
        %get3A_330 = tpu.vector_load %get3A_327[%get3A_328, %get3A_329] {strides = array<i32>} : memref<128x128xf32, #tpu.memory_space<vmem>>, vector<16xf32>,
        %get3A_331 = arith.constant 0 : i32
        %get3A_332 = arith.constant 0 : i32
        %get3A_333 = tpu.memref_slice %arg10[%scan3A_289, %get3A_331, %get3A_332] : memref<2x128x128xf32, #tpu.memory_space<vmem>> -> memref<1x128x128xf32, #tpu.memory_space<vmem>>
        %get3A_334 = tpu.memref_squeeze %get3A_333 : memref<1x128x128xf32, #tpu.memory_space<vmem>> -> memref<128x128xf32, #tpu.memory_space<vmem>>
        %get3A_335 = arith.index_cast %add3A_323 : i32 to index
        %get3A_336 = arith.constant 0 : index
        %get3A_337 = tpu.vector_load %get3A_334[%get3A_335, %get3A_336] {strides = array<i32>} : memref<128x128xf32, #tpu.memory_space<vmem>>, vector<16xf32>,
        %add3A_338 = arith.addf %get3A_330, %get3A_337 : vector<16xf32>
        %get3A_339 = arith.constant 0 : i32
        %get3A_340 = arith.constant 0 : i32
        %get3A_341 = tpu.memref_slice %arg9[%scan3A_288, %get3A_339, %get3A_340] : memref<2x128x128xf32, #tpu.memory_space<vmem>> -> memref<1x128x128xf32, #tpu.memory_space<vmem>>
        %get3A_342 = tpu.memref_squeeze %get3A_341 : memref<1x128x128xf32, #tpu.memory_space<vmem>> -> memref<128x128xf32, #tpu.memory_space<vmem>>
        %get3A_343 = arith.index_cast %add3A_323 : i32 to index
        %get3A_344 = arith.constant 16 : index
        %get3A_345 = tpu.vector_load %get3A_342[%get3A_343, %get3A_344] {strides = array<i32>} : memref<128x128xf32, #tpu.memory_space<vmem>>, vector<16xf32>,
        %get3A_346 = arith.constant 0 : i32
        %get3A_347 = arith.constant 0 : i32
        %get3A_348 = tpu.memref_slice %arg10[%scan3A_289, %get3A_346, %get3A_347] : memref<2x128x128xf32, #tpu.memory_space<vmem>> -> memref<1x128x128xf32, #tpu.memory_space<vmem>>
        %get3A_349 = tpu.memref_squeeze %get3A_348 : memref<1x128x128xf32, #tpu.memory_space<vmem>> -> memref<128x128xf32, #tpu.memory_space<vmem>>
        %get3A_350 = arith.index_cast %add3A_323 : i32 to index
        %get3A_351 = arith.constant 16 : index
        %get3A_352 = tpu.vector_load %get3A_349[%get3A_350, %get3A_351] {strides = array<i32>} : memref<128x128xf32, #tpu.memory_space<vmem>>, vector<16xf32>,
        %add3A_353 = arith.addf %get3A_345, %get3A_352 : vector<16xf32>
        %get3A_354 = arith.constant 0 : i32
        %get3A_355 = arith.constant 0 : i32
        %get3A_356 = tpu.memref_slice %arg9[%scan3A_288, %get3A_354, %get3A_355] : memref<2x128x128xf32, #tpu.memory_space<vmem>> -> memref<1x128x128xf32, #tpu.memory_space<vmem>>
        %get3A_357 = tpu.memref_squeeze %get3A_356 : memref<1x128x128xf32, #tpu.memory_space<vmem>> -> memref<128x128xf32, #tpu.memory_space<vmem>>
        %get3A_358 = arith.index_cast %add3A_323 : i32 to index
        %get3A_359 = arith.constant 32 : index
        %get3A_360 = tpu.vector_load %get3A_357[%get3A_358, %get3A_359] {strides = array<i32>} : memref<128x128xf32, #tpu.memory_space<vmem>>, vector<16xf32>,
        %get3A_361 = arith.constant 0 : i32
        %get3A_362 = arith.constant 0 : i32
        %get3A_363 = tpu.memref_slice %arg10[%scan3A_289, %get3A_361, %get3A_362] : memref<2x128x128xf32, #tpu.memory_space<vmem>> -> memref<1x128x128xf32, #tpu.memory_space<vmem>>
        %get3A_364 = tpu.memref_squeeze %get3A_363 : memref<1x128x128xf32, #tpu.memory_space<vmem>> -> memref<128x128xf32, #tpu.memory_space<vmem>>
        %get3A_365 = arith.index_cast %add3A_323 : i32 to index
        %get3A_366 = arith.constant 32 : index
        %get3A_367 = tpu.vector_load %get3A_364[%get3A_365, %get3A_366] {strides = array<i32>} : memref<128x128xf32, #tpu.memory_space<vmem>>, vector<16xf32>,
        %add3A_368 = arith.addf %get3A_360, %get3A_367 : vector<16xf32>
        %get3A_369 = arith.constant 0 : i32
        %get3A_370 = arith.constant 0 : i32
        %get3A_371 = tpu.memref_slice %arg9[%scan3A_288, %get3A_369, %get3A_370] : memref<2x128x128xf32, #tpu.memory_space<vmem>> -> memref<1x128x128xf32, #tpu.memory_space<vmem>>
        %get3A_372 = tpu.memref_squeeze %get3A_371 : memref<1x128x128xf32, #tpu.memory_space<vmem>> -> memref<128x128xf32, #tpu.memory_space<vmem>>
        %get3A_373 = arith.index_cast %add3A_323 : i32 to index
        %get3A_374 = arith.constant 48 : index
        %get3A_375 = tpu.vector_load %get3A_372[%get3A_373, %get3A_374] {strides = array<i32>} : memref<128x128xf32, #tpu.memory_space<vmem>>, vector<16xf32>,
        %get3A_376 = arith.constant 0 : i32
        %get3A_377 = arith.constant 0 : i32
        %get3A_378 = tpu.memref_slice %arg10[%scan3A_289, %get3A_376, %get3A_377] : memref<2x128x128xf32, #tpu.memory_space<vmem>> -> memref<1x128x128xf32, #tpu.memory_space<vmem>>
        %get3A_379 = tpu.memref_squeeze %get3A_378 : memref<1x128x128xf32, #tpu.memory_space<vmem>> -> memref<128x128xf32, #tpu.memory_space<vmem>>
        %get3A_380 = arith.index_cast %add3A_323 : i32 to index
        %get3A_381 = arith.constant 48 : index
        %get3A_382 = tpu.vector_load %get3A_379[%get3A_380, %get3A_381] {strides = array<i32>} : memref<128x128xf32, #tpu.memory_space<vmem>>, vector<16xf32>,
        %add3A_383 = arith.addf %get3A_375, %get3A_382 : vector<16xf32>
        %get3A_384 = arith.constant 0 : i32
        %get3A_385 = arith.constant 0 : i32
        %get3A_386 = tpu.memref_slice %arg9[%scan3A_288, %get3A_384, %get3A_385] : memref<2x128x128xf32, #tpu.memory_space<vmem>> -> memref<1x128x128xf32, #tpu.memory_space<vmem>>
        %get3A_387 = tpu.memref_squeeze %get3A_386 : memref<1x128x128xf32, #tpu.memory_space<vmem>> -> memref<128x128xf32, #tpu.memory_space<vmem>>
        %get3A_388 = arith.index_cast %add3A_323 : i32 to index
        %get3A_389 = arith.constant 64 : index
        %get3A_390 = tpu.vector_load %get3A_387[%get3A_388, %get3A_389] {strides = array<i32>} : memref<128x128xf32, #tpu.memory_space<vmem>>, vector<16xf32>,
        %get3A_391 = arith.constant 0 : i32
        %get3A_392 = arith.constant 0 : i32
        %get3A_393 = tpu.memref_slice %arg10[%scan3A_289, %get3A_391, %get3A_392] : memref<2x128x128xf32, #tpu.memory_space<vmem>> -> memref<1x128x128xf32, #tpu.memory_space<vmem>>
        %get3A_394 = tpu.memref_squeeze %get3A_393 : memref<1x128x128xf32, #tpu.memory_space<vmem>> -> memref<128x128xf32, #tpu.memory_space<vmem>>
        %get3A_395 = arith.index_cast %add3A_323 : i32 to index
        %get3A_396 = arith.constant 64 : index
        %get3A_397 = tpu.vector_load %get3A_394[%get3A_395, %get3A_396] {strides = array<i32>} : memref<128x128xf32, #tpu.memory_space<vmem>>, vector<16xf32>,
        %add3A_398 = arith.addf %get3A_390, %get3A_397 : vector<16xf32>
        %get3A_399 = arith.constant 0 : i32
        %get3A_400 = arith.constant 0 : i32
        %get3A_401 = tpu.memref_slice %arg9[%scan3A_288, %get3A_399, %get3A_400] : memref<2x128x128xf32, #tpu.memory_space<vmem>> -> memref<1x128x128xf32, #tpu.memory_space<vmem>>
        %get3A_402 = tpu.memref_squeeze %get3A_401 : memref<1x128x128xf32, #tpu.memory_space<vmem>> -> memref<128x128xf32, #tpu.memory_space<vmem>>
        %get3A_403 = arith.index_cast %add3A_323 : i32 to index
        %get3A_404 = arith.constant 80 : index
        %get3A_405 = tpu.vector_load %get3A_402[%get3A_403, %get3A_404] {strides = array<i32>} : memref<128x128xf32, #tpu.memory_space<vmem>>, vector<16xf32>,
        %get3A_406 = arith.constant 0 : i32
        %get3A_407 = arith.constant 0 : i32
        %get3A_408 = tpu.memref_slice %arg10[%scan3A_289, %get3A_406, %get3A_407] : memref<2x128x128xf32, #tpu.memory_space<vmem>> -> memref<1x128x128xf32, #tpu.memory_space<vmem>>
        %get3A_409 = tpu.memref_squeeze %get3A_408 : memref<1x128x128xf32, #tpu.memory_space<vmem>> -> memref<128x128xf32, #tpu.memory_space<vmem>>
        %get3A_410 = arith.index_cast %add3A_323 : i32 to index
        %get3A_411 = arith.constant 80 : index
        %get3A_412 = tpu.vector_load %get3A_409[%get3A_410, %get3A_411] {strides = array<i32>} : memref<128x128xf32, #tpu.memory_space<vmem>>, vector<16xf32>,
        %add3A_413 = arith.addf %get3A_405, %get3A_412 : vector<16xf32>
        %get3A_414 = arith.constant 0 : i32
        %get3A_415 = arith.constant 0 : i32
        %get3A_416 = tpu.memref_slice %arg9[%scan3A_288, %get3A_414, %get3A_415] : memref<2x128x128xf32, #tpu.memory_space<vmem>> -> memref<1x128x128xf32, #tpu.memory_space<vmem>>
        %get3A_417 = tpu.memref_squeeze %get3A_416 : memref<1x128x128xf32, #tpu.memory_space<vmem>> -> memref<128x128xf32, #tpu.memory_space<vmem>>
        %get3A_418 = arith.index_cast %add3A_323 : i32 to index
        %get3A_419 = arith.constant 96 : index
        %get3A_420 = tpu.vector_load %get3A_417[%get3A_418, %get3A_419] {strides = array<i32>} : memref<128x128xf32, #tpu.memory_space<vmem>>, vector<16xf32>,
        %get3A_421 = arith.constant 0 : i32
        %get3A_422 = arith.constant 0 : i32
        %get3A_423 = tpu.memref_slice %arg10[%scan3A_289, %get3A_421, %get3A_422] : memref<2x128x128xf32, #tpu.memory_space<vmem>> -> memref<1x128x128xf32, #tpu.memory_space<vmem>>
        %get3A_424 = tpu.memref_squeeze %get3A_423 : memref<1x128x128xf32, #tpu.memory_space<vmem>> -> memref<128x128xf32, #tpu.memory_space<vmem>>
        %get3A_425 = arith.index_cast %add3A_323 : i32 to index
        %get3A_426 = arith.constant 96 : index
        %get3A_427 = tpu.vector_load %get3A_424[%get3A_425, %get3A_426] {strides = array<i32>} : memref<128x128xf32, #tpu.memory_space<vmem>>, vector<16xf32>,
        %add3A_428 = arith.addf %get3A_420, %get3A_427 : vector<16xf32>
        %get3A_429 = arith.constant 0 : i32
        %get3A_430 = arith.constant 0 : i32
        %get3A_431 = tpu.memref_slice %arg9[%scan3A_288, %get3A_429, %get3A_430] : memref<2x128x128xf32, #tpu.memory_space<vmem>> -> memref<1x128x128xf32, #tpu.memory_space<vmem>>
        %get3A_432 = tpu.memref_squeeze %get3A_431 : memref<1x128x128xf32, #tpu.memory_space<vmem>> -> memref<128x128xf32, #tpu.memory_space<vmem>>
        %get3A_433 = arith.index_cast %add3A_323 : i32 to index
        %get3A_434 = arith.constant 112 : index
        %get3A_435 = tpu.vector_load %get3A_432[%get3A_433, %get3A_434] {strides = array<i32>} : memref<128x128xf32, #tpu.memory_space<vmem>>, vector<16xf32>,
        %get3A_436 = arith.constant 0 : i32
        %get3A_437 = arith.constant 0 : i32
        %get3A_438 = tpu.memref_slice %arg10[%scan3A_289, %get3A_436, %get3A_437] : memref<2x128x128xf32, #tpu.memory_space<vmem>> -> memref<1x128x128xf32, #tpu.memory_space<vmem>>
        %get3A_439 = tpu.memref_squeeze %get3A_438 : memref<1x128x128xf32, #tpu.memory_space<vmem>> -> memref<128x128xf32, #tpu.memory_space<vmem>>
        %get3A_440 = arith.index_cast %add3A_323 : i32 to index
        %get3A_441 = arith.constant 112 : index
        %get3A_442 = tpu.vector_load %get3A_439[%get3A_440, %get3A_441] {strides = array<i32>} : memref<128x128xf32, #tpu.memory_space<vmem>>, vector<16xf32>,
        %add3A_443 = arith.addf %get3A_435, %get3A_442 : vector<16xf32>
        %mul3A_444 = arith.mulf %add3A_338, %add3A_338 : vector<16xf32>
        %mul3A_445 = arith.mulf %add3A_353, %add3A_353 : vector<16xf32>
        %mul3A_446 = arith.mulf %add3A_368, %add3A_368 : vector<16xf32>
        %mul3A_447 = arith.mulf %add3A_383, %add3A_383 : vector<16xf32>
        %mul3A_448 = arith.mulf %add3A_398, %add3A_398 : vector<16xf32>
        %mul3A_449 = arith.mulf %add3A_413, %add3A_413 : vector<16xf32>
        %mul3A_450 = arith.mulf %add3A_428, %add3A_428 : vector<16xf32>
        %mul3A_451 = arith.mulf %add3A_443, %add3A_443 : vector<16xf32>
        %add3A_452 = arith.addf %add3A_338, %add3A_353 : vector<16xf32>
        %add3A_453 = arith.addf %add3A_368, %add3A_383 : vector<16xf32>
        %add3A_454 = arith.addf %add3A_398, %add3A_413 : vector<16xf32>
        %add3A_455 = arith.addf %add3A_428, %add3A_443 : vector<16xf32>
        %add3A_456 = arith.addf %mul3A_444, %mul3A_445 : vector<16xf32>
        %add3A_457 = arith.addf %mul3A_446, %mul3A_447 : vector<16xf32>
        %add3A_458 = arith.addf %mul3A_448, %mul3A_449 : vector<16xf32>
        %add3A_459 = arith.addf %mul3A_450, %mul3A_451 : vector<16xf32>
        %add3A_460 = arith.addf %add3A_452, %add3A_453 : vector<16xf32>
        %add3A_461 = arith.addf %add3A_454, %add3A_455 : vector<16xf32>
        %add3A_462 = arith.addf %add3A_456, %add3A_457 : vector<16xf32>
        %add3A_463 = arith.addf %add3A_458, %add3A_459 : vector<16xf32>
        %add3A_464 = arith.addf %add3A_460, %add3A_461 : vector<16xf32>
        %add3A_465 = arith.addf %add3A_462, %add3A_463 : vector<16xf32>
        %reduce_sum3A = arith.constant true
        %reduce_sum3A_466 = vector.broadcast %reduce_sum3A : i1 to vector<16xi1>
        %reduce_sum3A_467 = tpu.scan <sum>, %add3A_464 masked %reduce_sum3A_466 : vector<16xf32>, vector<16xi1> -> vector<16xf32>
        %reduce_sum3A_468 = vector.extract %reduce_sum3A_467[15] : f32 from vector<16xf32>
        %reduce_sum3A_469 = arith.constant true
        %reduce_sum3A_470 = vector.broadcast %reduce_sum3A_469 : i1 to vector<16xi1>
        %reduce_sum3A_471 = tpu.scan <sum>, %add3A_465 masked %reduce_sum3A_470 : vector<16xf32>, vector<16xi1> -> vector<16xf32>
        %reduce_sum3A_472 = vector.extract %reduce_sum3A_471[15] : f32 from vector<16xf32>
        %broadcast_in_dim3A = vector.broadcast %reduce_sum3A_468 : f32 to vector<16xf32>
        %mul3A_473 = arith.constant 7.812500e-03 : f32
        %mul3A_474 = vector.broadcast %mul3A_473 : f32 to vector<16xf32>
        %mul3A_475 = arith.mulf %broadcast_in_dim3A, %mul3A_474 : vector<16xf32>
        %broadcast_in_dim3A_476 = vector.broadcast %reduce_sum3A_472 : f32 to vector<16xf32>
        %mul3A_477 = arith.constant 7.812500e-03 : f32
        %mul3A_478 = vector.broadcast %mul3A_477 : f32 to vector<16xf32>
        %mul3A_479 = arith.mulf %broadcast_in_dim3A_476, %mul3A_478 : vector<16xf32>
        %mul3A_480 = arith.mulf %mul3A_475, %mul3A_475 : vector<16xf32>
        %sub3A = arith.subf %mul3A_479, %mul3A_480 : vector<16xf32>
        %add3A_481 = arith.constant 9.99999974E-6 : f32
        %add3A_482 = vector.broadcast %add3A_481 : f32 to vector<16xf32>
        %add3A_483 = arith.addf %sub3A, %add3A_482 : vector<16xf32>
        %bitcast3A = vector.bitcast %add3A_483 : vector<16xf32> to vector<16xi32>
        %shift_right_logical3A = arith.constant 1 : i32
        %shift_right_logical3A_484 = vector.broadcast %shift_right_logical3A : i32 to vector<16xi32>
        %shift_right_logical3A_485 = arith.shrui %bitcast3A, %shift_right_logical3A_484 : vector<16xi32>
        %sub3A_486 = arith.constant 1597463007 : i32
        %sub3A_487 = vector.broadcast %sub3A_486 : i32 to vector<16xi32>
        %sub3A_488 = arith.subi %sub3A_487, %shift_right_logical3A_485 : vector<16xi32>
        %bitcast3A_489 = vector.bitcast %sub3A_488 : vector<16xi32> to vector<16xf32>
        %mul3A_490 = arith.constant 5.000000e-01 : f32
        %mul3A_491 = vector.broadcast %mul3A_490 : f32 to vector<16xf32>
        %mul3A_492 = arith.mulf %add3A_483, %mul3A_491 : vector<16xf32>
        %mul3A_493 = arith.mulf %mul3A_492, %bitcast3A_489 : vector<16xf32>
        %mul3A_494 = arith.mulf %mul3A_493, %bitcast3A_489 : vector<16xf32>
        %sub3A_495 = arith.constant 1.500000e+00 : f32
        %sub3A_496 = vector.broadcast %sub3A_495 : f32 to vector<16xf32>
        %sub3A_497 = arith.subf %sub3A_496, %mul3A_494 : vector<16xf32>
        %mul3A_498 = arith.mulf %bitcast3A_489, %sub3A_497 : vector<16xf32>
        %mul3A_499 = arith.mulf %mul3A_492, %mul3A_498 : vector<16xf32>
        %mul3A_500 = arith.mulf %mul3A_499, %mul3A_498 : vector<16xf32>
        %sub3A_501 = arith.constant 1.500000e+00 : f32
        %sub3A_502 = vector.broadcast %sub3A_501 : f32 to vector<16xf32>
        %sub3A_503 = arith.subf %sub3A_502, %mul3A_500 : vector<16xf32>
        %mul3A_504 = arith.mulf %mul3A_498, %sub3A_503 : vector<16xf32>
        %mul3A_505 = arith.mulf %mul3A_475, %mul3A_504 : vector<16xf32>
        %mul3A_506 = arith.mulf %mul3A_504, %get3A_8 : vector<16xf32>
        %mul3A_507 = arith.mulf %mul3A_505, %get3A_8 : vector<16xf32>
        %sub3A_508 = arith.subf %get3A_40, %mul3A_507 : vector<16xf32>
        %mul3A_509 = arith.mulf %add3A_338, %mul3A_506 : vector<16xf32>
        %add3A_510 = arith.addf %mul3A_509, %sub3A_508 : vector<16xf32>
        %swap3A = arith.constant 0 : i32
        %swap3A_511 = arith.constant 0 : i32
        %swap3A_512 = tpu.memref_slice %arg11[%scan3A_290, %swap3A, %swap3A_511] : memref<2x128x128xf32, #tpu.memory_space<vmem>> -> memref<1x128x128xf32, #tpu.memory_space<vmem>>
        %swap3A_513 = tpu.memref_squeeze %swap3A_512 : memref<1x128x128xf32, #tpu.memory_space<vmem>> -> memref<128x128xf32, #tpu.memory_space<vmem>>
        %swap3A_514 = arith.index_cast %add3A_323 : i32 to index
        %swap3A_515 = arith.constant 0 : index
        %swap3A_516 = tpu.vector_load %swap3A_513[%swap3A_514, %swap3A_515] {strides = array<i32>} : memref<128x128xf32, #tpu.memory_space<vmem>>, vector<16xf32>,
        tpu.vector_store %swap3A_513[%swap3A_514, %swap3A_515], %add3A_510 {strides = array<i32>} : memref<128x128xf32, #tpu.memory_space<vmem>>, vector<16xf32>,
        %mul3A_517 = arith.mulf %mul3A_504, %get3A_12 : vector<16xf32>
        %mul3A_518 = arith.mulf %mul3A_505, %get3A_12 : vector<16xf32>
        %sub3A_519 = arith.subf %get3A_44, %mul3A_518 : vector<16xf32>
        %mul3A_520 = arith.mulf %add3A_353, %mul3A_517 : vector<16xf32>
        %add3A_521 = arith.addf %mul3A_520, %sub3A_519 : vector<16xf32>
        %swap3A_522 = arith.constant 0 : i32
        %swap3A_523 = arith.constant 0 : i32
        %swap3A_524 = tpu.memref_slice %arg11[%scan3A_290, %swap3A_522, %swap3A_523] : memref<2x128x128xf32, #tpu.memory_space<vmem>> -> memref<1x128x128xf32, #tpu.memory_space<vmem>>
        %swap3A_525 = tpu.memref_squeeze %swap3A_524 : memref<1x128x128xf32, #tpu.memory_space<vmem>> -> memref<128x128xf32, #tpu.memory_space<vmem>>
        %swap3A_526 = arith.index_cast %add3A_323 : i32 to index
        %swap3A_527 = arith.constant 16 : index
        %swap3A_528 = tpu.vector_load %swap3A_525[%swap3A_526, %swap3A_527] {strides = array<i32>} : memref<128x128xf32, #tpu.memory_space<vmem>>, vector<16xf32>,
        tpu.vector_store %swap3A_525[%swap3A_526, %swap3A_527], %add3A_521 {strides = array<i32>} : memref<128x128xf32, #tpu.memory_space<vmem>>, vector<16xf32>,
        %mul3A_529 = arith.mulf %mul3A_504, %get3A_16 : vector<16xf32>
        %mul3A_530 = arith.mulf %mul3A_505, %get3A_16 : vector<16xf32>
        %sub3A_531 = arith.subf %get3A_48, %mul3A_530 : vector<16xf32>
        %mul3A_532 = arith.mulf %add3A_368, %mul3A_529 : vector<16xf32>
        %add3A_533 = arith.addf %mul3A_532, %sub3A_531 : vector<16xf32>
        %swap3A_534 = arith.constant 0 : i32
        %swap3A_535 = arith.constant 0 : i32
        %swap3A_536 = tpu.memref_slice %arg11[%scan3A_290, %swap3A_534, %swap3A_535] : memref<2x128x128xf32, #tpu.memory_space<vmem>> -> memref<1x128x128xf32, #tpu.memory_space<vmem>>
        %swap3A_537 = tpu.memref_squeeze %swap3A_536 : memref<1x128x128xf32, #tpu.memory_space<vmem>> -> memref<128x128xf32, #tpu.memory_space<vmem>>
        %swap3A_538 = arith.index_cast %add3A_323 : i32 to index
        %swap3A_539 = arith.constant 32 : index
        %swap3A_540 = tpu.vector_load %swap3A_537[%swap3A_538, %swap3A_539] {strides = array<i32>} : memref<128x128xf32, #tpu.memory_space<vmem>>, vector<16xf32>,
        tpu.vector_store %swap3A_537[%swap3A_538, %swap3A_539], %add3A_533 {strides = array<i32>} : memref<128x128xf32, #tpu.memory_space<vmem>>, vector<16xf32>,
        %mul3A_541 = arith.mulf %mul3A_504, %get3A_20 : vector<16xf32>
        %mul3A_542 = arith.mulf %mul3A_505, %get3A_20 : vector<16xf32>
        %sub3A_543 = arith.subf %get3A_52, %mul3A_542 : vector<16xf32>
        %mul3A_544 = arith.mulf %add3A_383, %mul3A_541 : vector<16xf32>
        %add3A_545 = arith.addf %mul3A_544, %sub3A_543 : vector<16xf32>
        %swap3A_546 = arith.constant 0 : i32
        %swap3A_547 = arith.constant 0 : i32
        %swap3A_548 = tpu.memref_slice %arg11[%scan3A_290, %swap3A_546, %swap3A_547] : memref<2x128x128xf32, #tpu.memory_space<vmem>> -> memref<1x128x128xf32, #tpu.memory_space<vmem>>
        %swap3A_549 = tpu.memref_squeeze %swap3A_548 : memref<1x128x128xf32, #tpu.memory_space<vmem>> -> memref<128x128xf32, #tpu.memory_space<vmem>>
        %swap3A_550 = arith.index_cast %add3A_323 : i32 to index
        %swap3A_551 = arith.constant 48 : index
        %swap3A_552 = tpu.vector_load %swap3A_549[%swap3A_550, %swap3A_551] {strides = array<i32>} : memref<128x128xf32, #tpu.memory_space<vmem>>, vector<16xf32>,
        tpu.vector_store %swap3A_549[%swap3A_550, %swap3A_551], %add3A_545 {strides = array<i32>} : memref<128x128xf32, #tpu.memory_space<vmem>>, vector<16xf32>,
        %mul3A_553 = arith.mulf %mul3A_504, %get3A_24 : vector<16xf32>
        %mul3A_554 = arith.mulf %mul3A_505, %get3A_24 : vector<16xf32>
        %sub3A_555 = arith.subf %get3A_56, %mul3A_554 : vector<16xf32>
        %mul3A_556 = arith.mulf %add3A_398, %mul3A_553 : vector<16xf32>
        %add3A_557 = arith.addf %mul3A_556, %sub3A_555 : vector<16xf32>
        %swap3A_558 = arith.constant 0 : i32
        %swap3A_559 = arith.constant 0 : i32
        %swap3A_560 = tpu.memref_slice %arg11[%scan3A_290, %swap3A_558, %swap3A_559] : memref<2x128x128xf32, #tpu.memory_space<vmem>> -> memref<1x128x128xf32, #tpu.memory_space<vmem>>
        %swap3A_561 = tpu.memref_squeeze %swap3A_560 : memref<1x128x128xf32, #tpu.memory_space<vmem>> -> memref<128x128xf32, #tpu.memory_space<vmem>>
        %swap3A_562 = arith.index_cast %add3A_323 : i32 to index
        %swap3A_563 = arith.constant 64 : index
        %swap3A_564 = tpu.vector_load %swap3A_561[%swap3A_562, %swap3A_563] {strides = array<i32>} : memref<128x128xf32, #tpu.memory_space<vmem>>, vector<16xf32>,
        tpu.vector_store %swap3A_561[%swap3A_562, %swap3A_563], %add3A_557 {strides = array<i32>} : memref<128x128xf32, #tpu.memory_space<vmem>>, vector<16xf32>,
        %mul3A_565 = arith.mulf %mul3A_504, %get3A_28 : vector<16xf32>
        %mul3A_566 = arith.mulf %mul3A_505, %get3A_28 : vector<16xf32>
        %sub3A_567 = arith.subf %get3A_60, %mul3A_566 : vector<16xf32>
        %mul3A_568 = arith.mulf %add3A_413, %mul3A_565 : vector<16xf32>
        %add3A_569 = arith.addf %mul3A_568, %sub3A_567 : vector<16xf32>
        %swap3A_570 = arith.constant 0 : i32
        %swap3A_571 = arith.constant 0 : i32
        %swap3A_572 = tpu.memref_slice %arg11[%scan3A_290, %swap3A_570, %swap3A_571] : memref<2x128x128xf32, #tpu.memory_space<vmem>> -> memref<1x128x128xf32, #tpu.memory_space<vmem>>
        %swap3A_573 = tpu.memref_squeeze %swap3A_572 : memref<1x128x128xf32, #tpu.memory_space<vmem>> -> memref<128x128xf32, #tpu.memory_space<vmem>>
        %swap3A_574 = arith.index_cast %add3A_323 : i32 to index
        %swap3A_575 = arith.constant 80 : index
        %swap3A_576 = tpu.vector_load %swap3A_573[%swap3A_574, %swap3A_575] {strides = array<i32>} : memref<128x128xf32, #tpu.memory_space<vmem>>, vector<16xf32>,
        tpu.vector_store %swap3A_573[%swap3A_574, %swap3A_575], %add3A_569 {strides = array<i32>} : memref<128x128xf32, #tpu.memory_space<vmem>>, vector<16xf32>,
        %mul3A_577 = arith.mulf %mul3A_504, %get3A_32 : vector<16xf32>
        %mul3A_578 = arith.mulf %mul3A_505, %get3A_32 : vector<16xf32>
        %sub3A_579 = arith.subf %get3A_64, %mul3A_578 : vector<16xf32>
        %mul3A_580 = arith.mulf %add3A_428, %mul3A_577 : vector<16xf32>
        %add3A_581 = arith.addf %mul3A_580, %sub3A_579 : vector<16xf32>
        %swap3A_582 = arith.constant 0 : i32
        %swap3A_583 = arith.constant 0 : i32
        %swap3A_584 = tpu.memref_slice %arg11[%scan3A_290, %swap3A_582, %swap3A_583] : memref<2x128x128xf32, #tpu.memory_space<vmem>> -> memref<1x128x128xf32, #tpu.memory_space<vmem>>
        %swap3A_585 = tpu.memref_squeeze %swap3A_584 : memref<1x128x128xf32, #tpu.memory_space<vmem>> -> memref<128x128xf32, #tpu.memory_space<vmem>>
        %swap3A_586 = arith.index_cast %add3A_323 : i32 to index
        %swap3A_587 = arith.constant 96 : index
        %swap3A_588 = tpu.vector_load %swap3A_585[%swap3A_586, %swap3A_587] {strides = array<i32>} : memref<128x128xf32, #tpu.memory_space<vmem>>, vector<16xf32>,
        tpu.vector_store %swap3A_585[%swap3A_586, %swap3A_587], %add3A_581 {strides = array<i32>} : memref<128x128xf32, #tpu.memory_space<vmem>>, vector<16xf32>,
        %mul3A_589 = arith.mulf %mul3A_504, %get3A_36 : vector<16xf32>
        %mul3A_590 = arith.mulf %mul3A_505, %get3A_36 : vector<16xf32>
        %sub3A_591 = arith.subf %get3A_68, %mul3A_590 : vector<16xf32>
        %mul3A_592 = arith.mulf %add3A_443, %mul3A_589 : vector<16xf32>
        %add3A_593 = arith.addf %mul3A_592, %sub3A_591 : vector<16xf32>
        %swap3A_594 = arith.constant 0 : i32
        %swap3A_595 = arith.constant 0 : i32
        %swap3A_596 = tpu.memref_slice %arg11[%scan3A_290, %swap3A_594, %swap3A_595] : memref<2x128x128xf32, #tpu.memory_space<vmem>> -> memref<1x128x128xf32, #tpu.memory_space<vmem>>
        %swap3A_597 = tpu.memref_squeeze %swap3A_596 : memref<1x128x128xf32, #tpu.memory_space<vmem>> -> memref<128x128xf32, #tpu.memory_space<vmem>>
        %swap3A_598 = arith.index_cast %add3A_323 : i32 to index
        %swap3A_599 = arith.constant 112 : index
        %swap3A_600 = tpu.vector_load %swap3A_597[%swap3A_598, %swap3A_599] {strides = array<i32>} : memref<128x128xf32, #tpu.memory_space<vmem>>, vector<16xf32>,
        tpu.vector_store %swap3A_597[%swap3A_598, %swap3A_599], %add3A_593 {strides = array<i32>} : memref<128x128xf32, #tpu.memory_space<vmem>>, vector<16xf32>,
      }
      %scan3A_295 = arith.constant 128 : i32
      %mul3A_296 = arith.constant 128 : i32
      %mul3A_297 = arith.muli %add3A_248, %mul3A_296 : i32
      %add3A_298 = arith.addi %mul3A_2, %mul3A_297 : i32
      %dma_start3A_299 = arith.constant 1 : i32
      %dma_start3A_300 = arith.constant 0 : i32
      %dma_start3A_301 = arith.constant 0 : i32
      %dma_start3A_302 = tpu.memref_slice %arg11[%dma_start3A_299, %dma_start3A_300, %dma_start3A_301] : memref<2x128x128xf32, #tpu.memory_space<vmem>> -> memref<1x128x128xf32, #tpu.memory_space<vmem>>
      %dma_start3A_303 = tpu.memref_squeeze %dma_start3A_302 : memref<1x128x128xf32, #tpu.memory_space<vmem>> -> memref<128x128xf32, #tpu.memory_space<vmem>>
      %dma_start3A_304 = arith.constant 0 : i32
      %dma_start3A_305 = tpu.memref_slice %arg7[%add3A_298, %dma_start3A_304] : memref<819200x128xf32, #tpu.memory_space<hbm>> -> memref<128x128xf32, #tpu.memory_space<hbm>>
      %dma_start3A_306 = arith.constant 0 : i32
      %dma_start3A_307 = tpu.memref_slice %arg7[%add3A_298, %dma_start3A_306] : memref<819200x128xf32, #tpu.memory_space<hbm>> -> memref<128x128xf32, #tpu.memory_space<hbm>>
      %dma_start3A_308 = arith.constant 0 : i32
      %dma_start3A_309 = arith.constant 0 : i32
      %dma_start3A_310 = tpu.memref_slice %arg11[%dma_start3A_299, %dma_start3A_308, %dma_start3A_309] : memref<2x128x128xf32, #tpu.memory_space<vmem>> -> memref<1x128x128xf32, #tpu.memory_space<vmem>>
      %dma_start3A_311 = tpu.memref_squeeze %dma_start3A_310 : memref<1x128x128xf32, #tpu.memory_space<vmem>> -> memref<128x128xf32, #tpu.memory_space<vmem>>
      tpu.enqueue_dma source(%dma_start3A_311 : memref<128x128xf32, #tpu.memory_space<vmem>>) target(%dma_start3A_307 : memref<128x128xf32, #tpu.memory_space<hbm>>) target_semaphore(%arg21 : memref<!tpu.dma_semaphore, #tpu.memory_space<semaphore_mem>>)
      %add3A_312 = arith.constant 2 : i32
      %add3A_313 = arith.addi %add3A_248, %add3A_312 : i32
      %lt3A_314 = arith.constant 200 : i32
      %lt3A_315 = arith.cmpi slt, %add3A_313, %lt3A_314 : i32
      %convert_element_type3A_316 = arith.extui %lt3A_315 : i1 to i32
      %cond3A_317 = arith.constant 0 : i32
      %cond3A_318 = arith.cmpi ne, %convert_element_type3A_316, %cond3A_317 : i32
      scf.if %cond3A_318 {
        %add3A_319 = arith.constant 2 : i32
        %add3A_320 = arith.addi %add3A_248, %add3A_319 : i32
        %mul3A_321 = arith.constant 128 : i32
        %mul3A_322 = arith.muli %add3A_320, %mul3A_321 : i32
        %add3A_323 = arith.addi %mul3A_2, %mul3A_322 : i32
        %dma_start3A_324 = arith.constant 1 : i32
        %dma_start3A_325 = arith.constant 0 : i32
        %dma_start3A_326 = tpu.memref_slice %arg8[%dma_start3A_324, %dma_start3A_325] : memref<2x128xi32, #tpu.memory_space<vmem>> -> memref<1x128xi32, #tpu.memory_space<vmem>>
        %dma_start3A_327 = tpu.memref_squeeze %dma_start3A_326 : memref<1x128xi32, #tpu.memory_space<vmem>> -> memref<128xi32, #tpu.memory_space<vmem>>
        %dma_start3A_328 = tpu.memref_slice %arg3[%add3A_323] : memref<819200xi32, #tpu.memory_space<hbm>> -> memref<128xi32, #tpu.memory_space<hbm>>
        %dma_start3A_329 = arith.constant 0 : i32
        %dma_start3A_330 = tpu.memref_slice %arg8[%dma_start3A_324, %dma_start3A_329] : memref<2x128xi32, #tpu.memory_space<vmem>> -> memref<1x128xi32, #tpu.memory_space<vmem>>
        %dma_start3A_331 = tpu.memref_squeeze %dma_start3A_330 : memref<1x128xi32, #tpu.memory_space<vmem>> -> memref<128xi32, #tpu.memory_space<vmem>>
        %dma_start3A_332 = tpu.memref_slice %arg3[%add3A_323] : memref<819200xi32, #tpu.memory_space<hbm>> -> memref<128xi32, #tpu.memory_space<hbm>>
        tpu.enqueue_dma source(%dma_start3A_332 : memref<128xi32, #tpu.memory_space<hbm>>) target(%dma_start3A_331 : memref<128xi32, #tpu.memory_space<vmem>>) target_semaphore(%arg15 : memref<!tpu.dma_semaphore, #tpu.memory_space<semaphore_mem>>)
        %dma_start3A_333 = arith.constant 1 : i32
        %dma_start3A_334 = arith.constant 0 : i32
        %dma_start3A_335 = arith.constant 0 : i32
        %dma_start3A_336 = tpu.memref_slice %arg9[%dma_start3A_333, %dma_start3A_334, %dma_start3A_335] : memref<2x128x128xf32, #tpu.memory_space<vmem>> -> memref<1x128x128xf32, #tpu.memory_space<vmem>>
        %dma_start3A_337 = tpu.memref_squeeze %dma_start3A_336 : memref<1x128x128xf32, #tpu.memory_space<vmem>> -> memref<128x128xf32, #tpu.memory_space<vmem>>
        %dma_start3A_338 = arith.constant 0 : i32
        %dma_start3A_339 = tpu.memref_slice %arg2[%add3A_323, %dma_start3A_338] : memref<819200x128xf32, #tpu.memory_space<hbm>> -> memref<128x128xf32, #tpu.memory_space<hbm>>
        %dma_start3A_340 = arith.constant 0 : i32
        %dma_start3A_341 = arith.constant 0 : i32
        %dma_start3A_342 = tpu.memref_slice %arg9[%dma_start3A_333, %dma_start3A_340, %dma_start3A_341] : memref<2x128x128xf32, #tpu.memory_space<vmem>> -> memref<1x128x128xf32, #tpu.memory_space<vmem>>
        %dma_start3A_343 = tpu.memref_squeeze %dma_start3A_342 : memref<1x128x128xf32, #tpu.memory_space<vmem>> -> memref<128x128xf32, #tpu.memory_space<vmem>>
        %dma_start3A_344 = arith.constant 0 : i32
        %dma_start3A_345 = tpu.memref_slice %arg2[%add3A_323, %dma_start3A_344] : memref<819200x128xf32, #tpu.memory_space<hbm>> -> memref<128x128xf32, #tpu.memory_space<hbm>>
        tpu.enqueue_dma source(%dma_start3A_345 : memref<128x128xf32, #tpu.memory_space<hbm>>) target(%dma_start3A_343 : memref<128x128xf32, #tpu.memory_space<vmem>>) target_semaphore(%arg17 : memref<!tpu.dma_semaphore, #tpu.memory_space<semaphore_mem>>)
      } else {
      }
    }
    %scan3A_141 = arith.constant 100 : i32
    %dma_wait3A_142 = arith.constant 0 : i32
    %dma_wait3A_143 = arith.constant 0 : i32
    %dma_wait3A_144 = arith.constant 0 : i32
    %dma_wait3A_145 = tpu.memref_slice %arg11[%dma_wait3A_142, %dma_wait3A_143, %dma_wait3A_144] : memref<2x128x128xf32, #tpu.memory_space<vmem>> -> memref<1x128x128xf32, #tpu.memory_space<vmem>>
    %dma_wait3A_146 = tpu.memref_squeeze %dma_wait3A_145 : memref<1x128x128xf32, #tpu.memory_space<vmem>> -> memref<128x128xf32, #tpu.memory_space<vmem>>
    %dma_wait3A_147 = arith.constant 0 : i32
    %dma_wait3A_148 = arith.constant 0 : i32
    %dma_wait3A_149 = tpu.memref_slice %arg7[%dma_wait3A_147, %dma_wait3A_148] : memref<819200x128xf32, #tpu.memory_space<hbm>> -> memref<128x128xf32, #tpu.memory_space<hbm>>
    %dma_wait3A_150 = arith.constant 0 : i32
    %dma_wait3A_151 = arith.constant 0 : i32
    %dma_wait3A_152 = tpu.memref_slice %arg7[%dma_wait3A_150, %dma_wait3A_151] : memref<819200x128xf32, #tpu.memory_space<hbm>> -> memref<128x128xf32, #tpu.memory_space<hbm>>
    %dma_wait3A_153 = arith.constant 0 : i32
    %dma_wait3A_154 = arith.constant 0 : i32
    %dma_wait3A_155 = tpu.memref_slice %arg11[%dma_wait3A_142, %dma_wait3A_153, %dma_wait3A_154] : memref<2x128x128xf32, #tpu.memory_space<vmem>> -> memref<1x128x128xf32, #tpu.memory_space<vmem>>
    %dma_wait3A_156 = tpu.memref_squeeze %dma_wait3A_155 : memref<1x128x128xf32, #tpu.memory_space<vmem>> -> memref<128x128xf32, #tpu.memory_space<vmem>>
    tpu.wait_dma2 semaphore(%arg20 : memref<!tpu.dma_semaphore, #tpu.memory_space<semaphore_mem>>) src(%dma_wait3A_156 : memref<128x128xf32, #tpu.memory_space<vmem>>) dst(%dma_wait3A_152 : memref<128x128xf32, #tpu.memory_space<hbm>>)
    %dma_wait3A_157 = arith.constant 1 : i32
    %dma_wait3A_158 = arith.constant 0 : i32
    %dma_wait3A_159 = arith.constant 0 : i32
    %dma_wait3A_160 = tpu.memref_slice %arg11[%dma_wait3A_157, %dma_wait3A_158, %dma_wait3A_159] : memref<2x128x128xf32, #tpu.memory_space<vmem>> -> memref<1x128x128xf32, #tpu.memory_space<vmem>>
    %dma_wait3A_161 = tpu.memref_squeeze %dma_wait3A_160 : memref<1x128x128xf32, #tpu.memory_space<vmem>> -> memref<128x128xf32, #tpu.memory_space<vmem>>
    %dma_wait3A_162 = arith.constant 0 : i32
    %dma_wait3A_163 = arith.constant 0 : i32
    %dma_wait3A_164 = tpu.memref_slice %arg7[%dma_wait3A_162, %dma_wait3A_163] : memref<819200x128xf32, #tpu.memory_space<hbm>> -> memref<128x128xf32, #tpu.memory_space<hbm>>
    %dma_wait3A_165 = arith.constant 0 : i32
    %dma_wait3A_166 = arith.constant 0 : i32
    %dma_wait3A_167 = tpu.memref_slice %arg7[%dma_wait3A_165, %dma_wait3A_166] : memref<819200x128xf32, #tpu.memory_space<hbm>> -> memref<128x128xf32, #tpu.memory_space<hbm>>
    %dma_wait3A_168 = arith.constant 0 : i32
    %dma_wait3A_169 = arith.constant 0 : i32
    %dma_wait3A_170 = tpu.memref_slice %arg11[%dma_wait3A_157, %dma_wait3A_168, %dma_wait3A_169] : memref<2x128x128xf32, #tpu.memory_space<vmem>> -> memref<1x128x128xf32, #tpu.memory_space<vmem>>
    %dma_wait3A_171 = tpu.memref_squeeze %dma_wait3A_170 : memref<1x128x128xf32, #tpu.memory_space<vmem>> -> memref<128x128xf32, #tpu.memory_space<vmem>>
    tpu.wait_dma2 semaphore(%arg21 : memref<!tpu.dma_semaphore, #tpu.memory_space<semaphore_mem>>) src(%dma_wait3A_171 : memref<128x128xf32, #tpu.memory_space<vmem>>) dst(%dma_wait3A_167 : memref<128x128xf32, #tpu.memory_space<hbm>>)
    return
  }
}

</mosaic_0001>

<sc_bundles>
// kernel: kernel.3.cloned.1.call-start
scs
__scs_entry_jumppad:
0x0: {  	(pc) =	sbr.rel $0x88, $3  }
0x1: {  	(tag) =	ssettag $0x0;
	lr =	simm.s32 $0x1  }
0x2: {  	[smem:$0x3F9C] =	sst lr;
	_ =	strace $0xD0000000  }
0x3: {  	_ = 	snop  }
0x4: {  	_ = 	snop  }
0x5: {  	_ = 	snop  }
0x6: {  	_ = 	snop  }
0x7: {  	_ = 	snop  }
__scs_overlays_trampoline_lowered:
0x8: {  	[smem:$0x3FAB] =	sst s0  }
0x9: {  	[smem:$0x3FAC] =	sst s1  }
0xa: {  	[smem:$0x3FAD] =	sst s2  }
0xb: {  	[smem:$0x3FAE] =	sst s3  }
0xc: {  	[smem:$0x3FAF] =	sst s4  }
0xd: {  	[smem:$0x3FB0] =	sst s5  }
0xe: {  	[smem:$0x3FB1] =	sst s6  }
0xf: {  	[smem:$0x3FB2] =	sst s7  }
0x10: {  	[smem:$0x3FB3] =	sst s8  }
0x11: {  	[smem:$0x3FB4] =	sst s9;
	s0 =	simm.s32 @!p0 $0x0  }
0x12: {  	s1 =	sld [smem:$0x3F9A];
	s0 =	simm.s32 @p0 $0x1  }
0x13: {  	[smem:$0x3FB5] =	sst s0;
	s0 =	simm.s32 @!p1 $0x0  }
0x14: {  	s2 =	sld [smem:$0x3F99];
	s0 =	simm.s32 @p1 $0x1  }
0x15: {  	[smem:$0x3FB6] =	sst s0;
	s0 =	simm.s32 @!p2 $0x0  }
0x16: {  	s3 =	sld [smem:$0x3FDB];
	s0 =	simm.s32 @p2 $0x1  }
0x17: {  	s4 =	simm.s32 $0x1BF5;
	[smem:$0x3FB8] =	sst s0  }
0x18: {  	s0 =	sld [smem:$0x3F9B];
	_ =	swait.ge [sflag:s4], $0x0  }
0x19: {  	s7 =	sld [smem:$0x3F9C]  }
0x1a: {  	s8 =	sadd.s32 $0xFFFFE003, lr  }
0x1b: {  	s9 =	sadd.s32 $0xFFFFFEF7, lr;
	s5 =	simm.s32 $0xFFFFFFFF;
	p2 =	slt.u32 s8, $0xFFFFF086  }
0x1c: {  	p1 =	slt.u32 s9, $0xF7A;
	s5 =	simm.s32 @!p2 $0x0  }
0x1d: {  	s5 =	simm.s32 @p1 $0x1;
	p0 =	seq.s32 s7, s2  }
0x1e: {  	s7 =	smul.u32 @!p0 $0xF7A, s2;
	p2 =	seq.s32 @!p0 s5, $0x0  }
0x1f: {  	s9 =	smul.u32 $0xF7A, s1;
	s8 =	simm.s32 @!p0 $0x1BF5;
	p2 =	por !p2, p0  }
0x20: {  	[sflag:s8] =	ssyncset.s32 @!p0 $0xFFFFF086;
	s6 =	sadd.s32 @!p0 s3, s7;
	s7 =	simm.s32 @!p0 $0x108  }
0x21: {  	s3 =	sadd.s32 s3, s9;
	s6 =	sadd.s32 @!p0 $0x88, s6;
	s7 =	simm.s32 @p2 $0x1082  }
0x22: {  	[simem:s7], [sflag:s8] =	dma.local @!p0 [hbm:s6], $0xF7A  }
0x23: {  	s9 =	sor.u32 $0xD0000000, s2;
	s6 =	simm.s32 $0x108;
	_ =	swait.ge @!p0 [sflag:s8], $0x0  }
0x24: {  	s3 =	sadd.s32 $0x88, s3;
	s6 =	simm.s32 @!p1 $0x1082;
	[sflag:s4] =	ssyncset.s32 $0xFFFFF086  }
0x25: {  	[simem:s6], [sflag:s4] =	dma.local [hbm:s3], $0xF7A  }
0x26: {  	[smem:$0x3F9C] =	sst s1;
	(tag) =	ssettag s2;
	_ =	strace s9  }
0x27: {  	s1 =	sld [smem:$0x3FAC]  }
0x28: {  	s2 =	sld [smem:$0x3FAD]  }
0x29: {  	s4 =	sld [smem:$0x3FAF]  }
0x2a: {  	p0 =	seq.s32 s5, $0x0;
	s5 =	sld [smem:$0x3FB0]  }
0x2b: {  	s6 =	sld [smem:$0x3FB1]  }
0x2c: {  	s7 =	sld [smem:$0x3FB2]  }
0x2d: {  	s3 =	simm.s32 $0x108;
	s8 =	sld [smem:$0x3FB3]  }
0x2e: {  	s3 =	simm.s32 @!p0 $0x1082;
	s9 =	sld [smem:$0x3FB4]  }
0x2f: {  	lr =	sadd.s32 s0, s3;
	s0 =	sld [smem:$0x3FAB]  }
0x30: {  	s3 =	sld [smem:$0x3FAE]  }
0x31: {  	[smem:$0x3FB7] =	sst s10  }
0x32: {  	s10 =	sld [smem:$0x3FB5];
	_ =	sdelay $0x3  }
0x33: {  	p0 =	seq.s32 s10, $0x1;
	s10 =	sld [smem:$0x3FB7];
	_ =	sdelay $0x3  }
0x34: {  	[smem:$0x3FB7] =	sst s10  }
0x35: {  	s10 =	sld [smem:$0x3FB6];
	_ =	sdelay $0x3  }
0x36: {  	p1 =	seq.s32 s10, $0x1;
	s10 =	sld [smem:$0x3FB7];
	_ =	sdelay $0x3  }
0x37: {  	[smem:$0x3FB7] =	sst s10  }
0x38: {  	s10 =	sld [smem:$0x3FB8]  }
0x39: {  	_ = 	snop;
	(pc) =	sbr.ind lr, $3  }
0x3a: {  	_ = 	snop  }
0x3b: {  	_ = 	snop  }
0x3c: {  	p2 =	seq.s32 s10, $0x1;
	s10 =	sld [smem:$0x3FB7]  }
0x3d: {  	_ =	shalt  }
0x3e: {  	_ =	shalt  }
0x3f: {  	_ =	shalt  }
0x40: {  	_ =	shalt  }
0x41: {  	_ =	shalt  }
0x42: {  	_ =	shalt  }
0x43: {  	_ =	shalt  }
0x44: {  	_ =	shalt  }
0x45: {  	_ =	shalt  }
0x46: {  	_ =	shalt  }
0x47: {  	_ =	shalt  }
0x48: {  	_ =	shalt  }
0x49: {  	_ =	shalt  }
0x4a: {  	_ =	shalt  }
0x4b: {  	_ =	shalt  }
0x4c: {  	_ =	shalt  }
0x4d: {  	_ =	shalt  }
0x4e: {  	_ =	shalt  }
0x4f: {  	_ =	shalt  }
0x50: {  	_ =	shalt  }
0x51: {  	_ =	shalt  }
0x52: {  	_ =	shalt  }
0x53: {  	_ =	shalt  }
0x54: {  	_ =	shalt  }
0x55: {  	_ =	shalt  }
0x56: {  	_ =	shalt  }
0x57: {  	_ =	shalt  }
0x58: {  	_ =	shalt  }
0x59: {  	_ =	shalt  }
0x5a: {  	_ =	shalt  }
0x5b: {  	_ =	shalt  }
0x5c: {  	_ =	shalt  }
0x5d: {  	_ =	shalt  }
0x5e: {  	_ =	shalt  }
0x5f: {  	_ =	shalt  }
0x60: {  	_ =	shalt  }
0x61: {  	_ =	shalt  }
0x62: {  	_ =	shalt  }
0x63: {  	_ =	shalt  }
0x64: {  	_ =	shalt  }
0x65: {  	_ =	shalt  }
0x66: {  	_ =	shalt  }
0x67: {  	_ =	shalt  }
0x68: {  	_ =	shalt  }
0x69: {  	_ =	shalt  }
0x6a: {  	_ =	shalt  }
0x6b: {  	_ =	shalt  }
0x6c: {  	_ =	shalt  }
0x6d: {  	_ =	shalt  }
0x6e: {  	_ =	shalt  }
0x6f: {  	_ =	shalt  }
0x70: {  	_ =	shalt  }
0x71: {  	_ =	shalt  }
0x72: {  	_ =	shalt  }
0x73: {  	_ =	shalt  }
0x74: {  	_ =	shalt  }
0x75: {  	_ =	shalt  }
0x76: {  	_ =	shalt  }
0x77: {  	_ =	shalt  }
0x78: {  	_ =	shalt  }
0x79: {  	_ =	shalt  }
0x7a: {  	_ =	shalt  }
0x7b: {  	_ =	shalt  }
0x7c: {  	_ =	shalt  }
0x7d: {  	_ =	shalt  }
0x7e: {  	_ =	shalt  }
0x7f: {  	_ =	shalt  }
0x80: {  	_ =	shalt  }
0x81: {  	_ =	shalt  }
0x82: {  	_ =	shalt  }
0x83: {  	_ =	shalt  }
0x84: {  	_ =	shalt  }
0x85: {  	_ =	shalt  }
0x86: {  	_ =	shalt  }
0x87: {  	_ =	shalt  }
.Lfunc_end0:
.L_simem_size_0:
called_computation_lowered:
.L_overlay_start_0:
0x88: {  	s2 =	sld [smem:$0x3FD9]  }
0x89: {  	s3 =	sld [smem:$0x3FFE];
	_ =	sdelay $0x1  }
0x8a: {  	s1 =	srdreg.scid  }
0x8b: {  	s0 =	sand.u32 $0x1, s1  }
0x8c: {  	s17 =	sshll.u32 s0, $0xA;
	s2 =	sadd.s32 s3, s2  }
0x8d: {  	s2 =	sadd.s32 s2, s17  }
0x8e: {  	[smem:$0x3FC3] =	sst s2  }
0x8f: {  	_ = 	snop  }
0x90: {  	s2 =	sld [smem:$0x3FC9]  }
0x91: {  	s18 =	sld [smem:$0x3FC7]  }
0x92: {  	s4 =	sld [smem:$0x3FC6]  }
0x93: {  	s5 =	sld [smem:$0x3FC5]  }
0x94: {  	s6 =	sld [smem:$0x3FD0];
	(tm) =	ssettm $0x1  }
0x95: {  	s7 =	sld [smem:$0x3FFB];
	_ =	sdelay $0x3  }
0x96: {  	_ =	strace s7  }
0x97: {  	s7 =	sld [smem:$0x3FFC];
	_ =	sdelay $0x3  }
0x98: {  	_ =	strace s7  }
0x99: {  	s7 =	sld [smem:$0x3FFD];
	_ =	sdelay $0x3  }
0x9a: {  	_ =	strace s7  }
0x9b: {  	_ =	strace $0x8FFFFFFF  }
0x9c: {  	s19 =	sld [smem:$0x3FDB];
	_ =	sdelay $0x1  }
0x9d: {  	s8 =	simm.s32 $_scs_section_size  }
0x9e: {  	s9 =	simm.s32 $_size__tile_overlayer_lowered;
	s10 =	simm.s32 $_tile_overlayer_lowered  }
0x9f: {  	s22 =	simm.s32 $0x1BFF;
	s21 =	sshll.u32 s10, $0x1;
	s7 =	sadd.s32 s8, s19  }
0xa0: {  	s11 =	simm.s32 $0x0;
	s20 =	sshll.u32 s9, $0x1;
	s9 =	sadd.s32 s21, s7  }
0xa1: {  	[timem:s11], [sflag:s22] =	dma.local [hbm:s9], s20  }
0xa2: {  	_ =	swait.ge [sflag:s22], s20  }
0xa3: {  	s8 =	ssub.s32 $0x0, s20;
	[sflag:s22] =	ssyncset.done $0x0  }
0xa4: {  	[sflag:s22] =	ssyncadd.s32 s8;
	_ =	sdelay $0x1  }
0xa5: {  	s23 =	simm.s32 $0x1B8B  }
0xa6: {  	_ =	swait.ge [sflag:s23], $0x1  }
0xa7: {  	[sflag:s23] =	ssyncset.done $0x0  }
0xa8: {  	s25 =	simm.s32 $0x1B8E;
	s24 =	sld [smem:$0x3FFE];
	[sflag:s23] =	ssyncadd.s32 $0xFFFFFFFF  }
0xa9: {  	s26 =	simm.s32 $execute0_lowered;
	[smem:$0x3FD2] =	sst s25  }
0xaa: {  	s9 =	sshll.u32 s26, $0x1;
	_ =	strace $0x80000046;
	[dreg:$0x1] =	wrdreg $0xFFFFFFFF  }
0xab: {  	s28 =	simm.s32 $_size_execute0_lowered;
	s7 =	sadd.s32 s7, s9;
	[dreg:$0x0] =	wrdreg $0x0  }
0xac: {  	s9 =	sshll.u32 s28, $0x1;
	[dreg:$0x2] =	wrdreg s7  }
0xad: {  	[dreg:$0x3] =	wrdreg s9  }
0xae: {  	[dreg:$0x4] =	wrdreg $0xC0  }
0xaf: {  	_ =	task [dreg:s11], $0x5FFFF  }
0xb0: {  	[dreg:$0x1] =	wrdreg $0xFFFFFFFF  }
0xb1: {  	[dreg:$0x0] =	wrdreg $0x60  }
0xb2: {  	[dreg:$0x2] =	wrdreg s2  }
0xb3: {  	[dreg:$0x3] =	wrdreg s24  }
0xb4: {  	[dreg:$0x4] =	wrdreg s18  }
0xb5: {  	[dreg:$0x5] =	wrdreg s4  }
0xb6: {  	[dreg:$0x6] =	wrdreg s5  }
0xb7: {  	[dreg:$0x7] =	wrdreg s6  }
0xb8: {  	[dreg:$0x8] =	wrdreg $0x182000  }
0xb9: {  	[dreg:$0x9] =	wrdreg $0x9  }
0xba: {  	_ =	task.clear_ibuf [dreg:s11], $0xAFFFF;
	_ =	strace $0x90000046  }
0xbb: {  	s29 =	simm.s32 $0x9;
	_ =	strace $0x80000048  }
0xbc: {  	_ =	swait.ge [sflag:s29], $0x1  }
0xbd: {  	[sflag:s29] =	ssyncadd.s32 $0xFFFFFFFF  }
0xbe: {  	_ =	strace $0x90000048  }
0xbf: {  	_ =	sfence  }
0xc0: {  	s30 =	sld [smem:$0x0];
	_ =	sdelay $0x2  }
0xc1: {  	s31 =	sshll.u32 s1, $0xD;
	s1 =	sshrl.u32 s1, $0x2  }
0xc2: {  	s3 =	sand.u32 $0x4000, s31;
	s1 =	sadd.s32 s1, s30  }
0xc3: {  	s0 =	sor.u32 s3, s0;
	s1 =	sshll.u32 s1, $0x11  }
0xc4: {  	s0 =	sor.u32 s1, s0  }
0xc5: {  	s0 =	sadd.s32 $0x8F2B, s0  }
0xc6: {  	[sflag:s0] =	ssyncadd.remote.s32 $0x1  }
0xc7: {  	_ =	sfence.sel $0xFFFF  }
0xc8: {  	[dreg:$0x0] =	wrdreg $0xFFFFFFFF;
	(pc) =	sbr.abs _section_cstart, $3  }
0xc9: {  	[dreg:$0x1] =	wrdreg $0xFFFFFFFF  }
0xca: {  	_ =	task.clear_ibuf [dreg:s11], $0x2FFFF;
	_ =	strace $0x9FFFFFFF  }
0xcb: {  	(tm) =	ssettm $0x7FFFFFFF  }
tec
execute0_lowered:
.L_overlay_start_1:
0x0: {  	(tag) =	ssettag $0x1  }
0x1: {  	s0 =	rddreg [dreg:$0x0]  }
0x2: {  	s1 =	rddreg [dreg:$0x1]  }
0x3: {  	s4 =	rddreg [dreg:$0x5];
	s2 =	srdreg.scid  }
0x4: {  	s3 =	stileid.u32;
	s6 =	rddreg [dreg:$0x6]  }
0x5: {  	s7 =	simm.s32 $0x0;
	s20 =	simm.s32 $0x9;
	s28 =	simm.s32 $0x2  }
0x6: {  	s29 =	simm.s32 $0xC100;
	s30 =	simm.s32 $0x3;
	s31 =	simm.s32 $0x5  }
0x7: {  	s19 =	simm.s32 $0x7;
	s2 =	sand.u32 $0x1, s2;
	s5 =	sshll.u32 s3, $0x1  }
0x8: {  	[smem:$0x7FF] =	sst s7;
	s8 =	sadd.s32 $0x400, s1;
	s5 =	sor.u32 s2, s5  }
0x9: {  	p0 =	sne.s32 s3, $0x0;
	s2 =	ssub.s32 $0x2, s2;
	s9 =	smul.u32 $0x6400, s5  }
0xa: {  	s3 =	simm.s32 $0x14100;
	s10 =	sshrl.u32 s2, $0x1;
	s11 =	smul.u32 $0x64000, s5  }
0xb: {  	_ =	strace $0x80000047;
	s21 =	ssub.s32 s2, s10;
	s22 =	sshrl.u32 s9, $0x3  }
0xc: {  	s23 =	sadd.s32 s0, s11;
	s24 =	sor.u32 $0x80, s9;
	s11 =	smul.u32 $0x320000, s5  }
0xd: {  	s14 =	sor.u32 $0x100, s9;
	s16 =	sor.u32 $0x180, s9;
	s1 =	smax.u32 s21, $0x1  }
0xe: {  	s5 =	simm.s32 $0x10100;
	s21 =	simm.s32 $0x8;
	[dreg:$0x9] =	wrdreg s23  }
0xf: {  	s2 =	sadd.s32 s8, s22;
	s25 =	sshrl.u32 s24, $0x3;
	[dreg:$0xc] =	wrdreg s1  }
.Ltmp0:
0x10: {  	s1 =	sshrl.u32 @!p0 s6, $0x3;
	s23 =	simm.s32 $0x80;
	(pc) =	sbr.rel .LBB2_1-.Ltmp0, $4  }
0x11: {  	s22 =	simm.s32 $0x0;
	[dreg:$0x8] =	wrdreg s2;
	s2 =	sshll.u32 s24, $0x4  }
0x12: {  	s26 =	sadd.s32 s8, s25;
	s15 =	sor.u32 $0x4000, s11;
	[dreg:$0xd] =	wrdreg s1  }
0x13: {  	s24 =	simm.s32 $0x4100;
	[dreg:$0xa] =	wrdreg s26;
	s2 =	sadd.s32 s0, s2  }
0x14: {  	s1 =	simm.s32 $0x4;
	[dreg:$0xb] =	wrdreg s2;
	s2 =	simm.s32 $0x6  }
.LBB2_8:
0x15: {  	_ =	swait.ge [sflag:s19], $0x4000  }
0x16: {  	[sflag:s19] =	ssyncset.done $0x0  }
0x17: {  	[sflag:s19] =	ssyncadd.s32 $0xFFFFC000  }
0x18: {  	_ =	swait.ge [sflag:s21], $0x4000  }
0x19: {  	s22 =	sadd.s32 $0x1, s22;
	s9 =	rddreg [dreg:$0xc]  }
0x1a: {  	p1 =	sne.s32 s22, s9  }
.Ltmp1:
0x1b: {  	_ = 	snop;
	(pc) =	sbr.rel @!p1 .LBB2_9-.Ltmp1, $3  }
0x1c: {  	_ =	sdelay $0x1  }
0x1d: {  	[sflag:s21] =	ssyncset.done $0x0  }
0x1e: {  	[sflag:s21] =	ssyncadd.s32 $0xFFFFC000  }
.LBB2_1:
0x1f: {  	s10 =	rddreg [dreg:$0x2]  }
0x20: {  	s9 =	simm.s32 @!p0 $0x1C09;
	s12 =	rddreg [dreg:$0xd]  }
0x21: {  	[spmem:s12], [sflag:s9] =	dma.local @!p0 [hbm:s10], $0x3E80  }
0x22: {  	s9 =	simm.s32 @!p0 $0x9  }
0x23: {  	_ =	swait.ge @!p0 [sflag:s9], $0x3E80  }
0x24: {  	[sflag:s9] =	ssyncset.done @!p0 $0x0  }
0x25: {  	[sflag:s9] =	ssyncadd.s32 @!p0 $0xFFFFC180  }
0x26: {  	s18 =	simm.s32 $0x18100;
	s9 =	rddreg [dreg:$0x3]  }
0x27: {  	[tilespmem:s18], [sflag:$0x9] =	stream.linear.gather [hbm4b:s9+s7], $0x80, $0x38;
	[tilespmem:$0x1A140] =	vst v63  }
0x28: {  	_ =	swait.ge [sflag:s20], $0x80  }
0x29: {  	[sflag:s20] =	ssyncset.done $0x0  }
0x2a: {  	[sflag:s20] =	ssyncadd.s32 $0xFFFFFF80  }
0x2b: {  	s26 =	simm.s32 $0x18180;
	s25 =	rddreg [dreg:$0x4]  }
0x2c: {  	[tilespmem:s26], [sflag:$0x9] =	stream.linear.gather [hbm4b:s25+s7], $0x80, $0x38;
	[tilespmem:$0x1A140] =	vst v63  }
0x2d: {  	_ =	swait.ge [sflag:s20], $0x80  }
0x2e: {  	[sflag:s20] =	ssyncset.done $0x0  }
0x2f: {  	[sflag:s20] =	ssyncadd.s32 $0xFFFFFF80  }
0x30: {  	[bflag:$0x0] =	sbarrier.arrive $0xFFFF  }
0x31: {  	v0 =	vld [tilespmem:$0x18100]  }
0x32: {  	v1 =	vld [tilespmem:$0x18110]  }
0x33: {  	v2 =	vld [tilespmem:$0x18120]  }
0x34: {  	v3 =	vld [tilespmem:$0x18130]  }
0x35: {  	v4 =	vld [tilespmem:$0x18140]  }
0x36: {  	v5 =	vld [tilespmem:$0x18150]  }
0x37: {  	v6 =	vld [tilespmem:$0x18160]  }
0x38: {  	v7 =	vld [tilespmem:$0x18170]  }
0x39: {  	v8 =	vld [tilespmem:$0x18180]  }
0x3a: {  	v9 =	vld [tilespmem:$0x18190]  }
0x3b: {  	v10 =	vld [tilespmem:$0x181A0]  }
0x3c: {  	v11 =	vld [tilespmem:$0x181B0]  }
0x3d: {  	v12 =	vld [tilespmem:$0x181C0]  }
0x3e: {  	v13 =	vld [tilespmem:$0x181D0]  }
0x3f: {  	v14 =	vld [tilespmem:$0x181E0];
	s10 =	rddreg [dreg:$0x8]  }
0x40: {  	v15 =	vld [tilespmem:$0x181F0];
	[tilespmem:s7], [sflag:$0x1] =	stream.linear.gather [hbm4b:s10+s7], $0x80, $0x38  }
0x41: {  	s13 =	simm.s32 $0x100;
	s12 =	rddreg [dreg:$0x9]  }
0x42: {  	[tilespmem:s13], [sflag:$0x3] =	stream.linear.gather [hbm4b:s12+s7], $0x4000, $0x38;
	[tilespmem:$0x1A140] =	vst v63  }
0x43: {  	s17 =	rddreg [dreg:$0xa]  }
0x44: {  	[tilespmem:s23], [sflag:$0x2] =	stream.linear.gather [hbm4b:s17+s7], $0x80, $0x38;
	[tilespmem:$0x1A140] =	vst v63  }
0x45: {  	s25 =	simm.s32 $0x1;
	s18 =	rddreg [dreg:$0xb]  }
0x46: {  	[tilespmem:s24], [sflag:$0x4] =	stream.linear.gather [hbm4b:s18+s7], $0x4000, $0x38;
	[tilespmem:$0x1A140] =	vst v63  }
0x47: {  	_ =	swait.ge [sflag:s25], $0x80  }
0x48: {  	[sflag:s25] =	ssyncset.done $0x0  }
0x49: {  	s26 =	simm.s32 $0x8100;
	[sflag:s25] =	ssyncadd.s32 $0xFFFFFF80  }
0x4a: {  	[tilespmem:s26], [sflag:$0x5] =	stream.indirect.gather [spmem:s6], $0x80, s7, s23, $0xb8;
	[tilespmem:$0x1A140] =	vst v63  }
0x4b: {  	s26 =	simm.s32 $0x0  }
.LBB2_2:
0x4c: {  	_ =	swait.ge [sflag:s28], $0x80  }
0x4d: {  	[sflag:s28] =	ssyncset.done $0x0  }
0x4e: {  	[sflag:s28] =	ssyncadd.s32 $0xFFFFFF80  }
0x4f: {  	[tilespmem:s29], [sflag:$0x6] =	stream.indirect.gather [spmem:s6], $0x80, s23, s23, $0xb8;
	[tilespmem:$0x1A140] =	vst v63  }
0x50: {  	_ =	swait.ge [sflag:s30], $0x4000  }
0x51: {  	[sflag:s30] =	ssyncset.done $0x0  }
0x52: {  	[sflag:s30] =	ssyncadd.s32 $0xFFFFC000  }
0x53: {  	_ =	swait.ge [sflag:s31], $0x4000  }
0x54: {  	p1 =	seq.s32 s26, $0x0;
	[sflag:s31] =	ssyncset.done $0x0  }
0x55: {  	s9 =	simm.s32 @!p1 $0x7;
	[sflag:s31] =	ssyncadd.s32 $0xFFFFC000  }
0x56: {  	_ =	swait.ge @!p1 [sflag:s9], $0x4000  }
0x57: {  	[sflag:s9] =	ssyncset.done @!p1 $0x0  }
0x58: {  	s10 =	simm.s32 $0x0;
	[sflag:s9] =	ssyncadd.s32 @!p1 $0xFFFFC000  }
0x59: {  	v16 =	vld [tilespmem:s10+$0x100]  }
0x5a: {  	v17 =	vld [tilespmem:s10+$0x8100]  }
0x5b: {  	v18 =	vld [tilespmem:s10+$0x110]  }
0x5c: {  	v19 =	vld [tilespmem:s10+$0x8110]  }
0x5d: {  	v20 =	vld [tilespmem:s10+$0x120]  }
0x5e: {  	v21 =	vld [tilespmem:s10+$0x8120]  }
0x5f: {  	v22 =	vld [tilespmem:s10+$0x130]  }
0x60: {  	v25 =	vld [tilespmem:s10+$0x8130]  }
0x61: {  	v27 =	vld [tilespmem:s10+$0x140]  }
0x62: {  	v28 =	vld [tilespmem:s10+$0x8140]  }
0x63: {  	v29 =	vld [tilespmem:s10+$0x150]  }
0x64: {  	v30 =	vld [tilespmem:s10+$0x8150]  }
0x65: {  	v31 =	vld [tilespmem:s10+$0x160]  }
0x66: {  	v32 =	vld [tilespmem:s10+$0x8160]  }
0x67: {  	v33 =	vld [tilespmem:s10+$0x170]  }
0x68: {  	v34 =	vld [tilespmem:s10+$0x8170]  }
0x69: {  	v23 =	vadd.f32 v17, v16;
	v26 =	vadd.f32 v19, v18  }
0x6a: {  	v24 =	vadd.f32 v21, v20;
	v22 =	vadd.f32 v25, v22  }
0x6b: {  	v20 =	vadd.f32 v28, v27;
	v25 =	vadd.f32 v30, v29;
	v16 =	vmul.f32 v23, v23  }
0x6c: {  	v28 =	vadd.f32 v32, v31;
	v17 =	vmul.f32 v26, v26;
	v18 =	vmul.f32 v24, v24  }
0x6d: {  	v31 =	vadd.f32 v34, v33;
	v19 =	vmul.f32 v22, v22;
	v21 =	vmul.f32 v20, v20  }
0x6e: {  	v27 =	vmul.f32 v25, v25;
	v29 =	vadd.f32 v26, v23;
	v30 =	vadd.f32 v22, v24  }
0x6f: {  	v32 =	vmul.f32 v28, v28;
	v61 =	vadd.f32 v25, v20;
	v34 =	vadd.f32 v31, v28  }
0x70: {  	v35 =	vmul.f32 v31, v31;
	v16 =	vadd.f32 v17, v16;
	v17 =	vadd.f32 v19, v18  }
0x71: {  	v18 =	vadd.f32 v30, v29;
	v19 =	vadd.f32 v34, v61  }
0x72: {  	v21 =	vadd.f32 v27, v21;
	v27 =	vadd.f32 v35, v32  }
0x73: {  	v18 =	vadd.f32 v19, v18  }
0x74: {  	v16 =	vadd.f32 v17, v16;
	v17 =	vadd.f32 v27, v21;
	_ =	sdelay $0x1  }
0x75: {  	s12 =	simm.s32 $0x80;
	(xrf2) =	vadd.scan.msk.f32 $0xffff, v18;
	v16 =	vadd.f32 v17, v16  }
0x76: {  	v62 =	vld [tilespmem:s12+$0x130]  }
0x77: {  	v63 =	vld [tilespmem:s12+$0x8130];
	(xrf2) =	vadd.scan.msk.f32 $0xffff, v16  }
0x78: {  	v48 =	vld [tilespmem:s12+$0x140]  }
0x79: {  	v36 =	vld [tilespmem:s12+$0x150]  }
0x7a: {  	v38 =	vld [tilespmem:s12+$0x8150]  }
0x7b: {  	v29 =	vld [tilespmem:s12+$0x8120]  }
0x7c: {  	v19 =	vld [tilespmem:s12+$0x110]  }
0x7d: {  	v27 =	vld [tilespmem:s12+$0x120]  }
0x7e: {  	v16 =	vld [tilespmem:s12+$0x8110]  }
0x7f: {  	v18 =	vld [tilespmem:s12+$0x100];
	v21, _, _ =	vpop (xrf2)  }
0x80: {  	v17 =	vld [tilespmem:s12+$0x8100];
	v37 =	vmul.f32 $7.812500000e-03, v21  }
0x81: {  	v49 =	vld [tilespmem:s12+$0x8140];
	v21, _, _ =	vpop (xrf2)  }
0x82: {  	v39 =	vld [tilespmem:s12+$0x160];
	v40 =	vmul.f32 v37, v37;
	v42 =	vmul.f32 $7.812500000e-03, v21  }
0x83: {  	v41 =	vld [tilespmem:s12+$0x8160];
	v30 =	vadd.f32 v16, v19  }
0x84: {  	v43 =	vld [tilespmem:s12+$0x170];
	v16 =	vadd.f32 v29, v27;
	v19 =	vsub.f32 v42, v40  }
0x85: {  	v44 =	vld [tilespmem:s12+$0x8170];
	v27 =	vadd.f32 v38, v36;
	v51 =	vmul.f32 v30, v30;
	v21 =	vadd.f32 v17, v18  }
0x86: {  	v52 =	vmul.f32 v16, v16;
	v17 =	vadd.f32 v63, v62;
	v29 =	vadd.f32 $9.999999740e-06, v19  }
0x87: {  	v56 =	vmul.f32 v27, v27;
	v18 =	vadd.f32 v49, v48;
	v50 =	vmul.f32 v21, v21  }
0x88: {  	v53 =	vmul.f32 v17, v17;
	v54 =	vbroadcast v29, $0xF  }
0x89: {  	v55 =	vmul.f32 v18, v18;
	v59 =	vadd.f32 v30, v21;
	v19 =	vadd.f32 v41, v39  }
0x8a: {  	v29 =	vadd.f32 v44, v43;
	v58 =	vshrl.u32 v54, $0x1;
	v36 =	vmul.f32 $5.000000000e-01, v54  }
0x8b: {  	v60 =	vadd.f32 v17, v16;
	v61 =	vadd.f32 v27, v18;
	v41 =	vsub.s32 $0x5F3759DF, v58  }
0x8c: {  	v32 =	vadd.f32 v51, v50;
	v45 =	vadd.f32 v29, v19;
	v46 =	vmul.f32 v41, v36  }
0x8d: {  	v62 =	vadd.f32 v53, v52;
	v57 =	vmul.f32 v19, v19;
	v47 =	vmul.f32 v29, v29  }
0x8e: {  	v63 =	vadd.f32 v60, v59;
	v45 =	vadd.f32 v45, v61;
	v46 =	vmul.f32 v41, v46  }
0x8f: {  	v38 =	vadd.f32 v56, v55;
	v48 =	vadd.f32 v47, v57  }
0x90: {  	v34 =	vadd.f32 v45, v63;
	v49 =	vsub.f32 $1.500000000e+00, v46  }
0x91: {  	v32 =	vadd.f32 v62, v32;
	v50 =	vadd.f32 v48, v38  }
0x92: {  	s13 =	simm.s32 $0x100;
	(xrf2) =	vadd.scan.msk.f32 $0xffff, v34;
	v51 =	vmul.f32 v41, v49  }
0x93: {  	v40 =	vld [tilespmem:s13+$0x140];
	v32 =	vadd.f32 v50, v32  }
0x94: {  	v39 =	vld [tilespmem:s13+$0x110];
	v58 =	vmul.f32 v51, v36  }
0x95: {  	v55 =	vld [tilespmem:s13+$0x8120];
	(xrf2) =	vadd.scan.msk.f32 $0xffff, v32  }
0x96: {  	v56 =	vld [tilespmem:s13+$0x130];
	v59 =	vmul.f32 v58, v51  }
0x97: {  	v52 =	vld [tilespmem:s13+$0x170]  }
0x98: {  	v44 =	vld [tilespmem:s13+$0x8110];
	v32 =	vsub.f32 $1.500000000e+00, v59  }
0x99: {  	v47 =	vld [tilespmem:s13+$0x120]  }
0x9a: {  	v60 =	vbroadcast v37, $0xF;
	v57 =	vld [tilespmem:s13+$0x8130];
	v33 =	vmul.f32 v32, v51  }
0x9b: {  	v38 =	vld [tilespmem:s13+$0x100]  }
0x9c: {  	v36 =	vld [tilespmem:s13+$0x8100];
	v61, _, _ =	vpop (xrf2);
	v42 =	vmul.f32 v33, v60  }
0x9d: {  	v46 =	vld [tilespmem:s13+$0x150];
	v32 =	vmul.f32 $7.812500000e-03, v61;
	v34 =	vmul.f32 v33, v0  }
0x9e: {  	v50 =	vld [tilespmem:s13+$0x160];
	v62 =	vmul.f32 v33, v7;
	v63 =	vmul.f32 v42, v7  }
0x9f: {  	v37 =	vadd.f32 v44, v39;
	v41 =	vld [tilespmem:s13+$0x8140];
	v35 =	vmul.f32 v33, v1;
	v51, _, _ =	vpop (xrf2);
	v48 =	vmul.f32 v32, v32  }
0xa0: {  	v49 =	vld [tilespmem:s13+$0x8150];
	v53 =	vmul.f32 $7.812500000e-03, v51;
	v58 =	vmul.f32 v62, v31;
	v54 =	vsub.f32 v15, v63  }
0xa1: {  	v51 =	vld [tilespmem:s13+$0x8160];
	v43 =	vmul.f32 v42, v0;
	v31 =	vadd.f32 v36, v38;
	v44 =	vmul.f32 v42, v1  }
0xa2: {  	v45 =	vmul.f32 v42, v2;
	v53 =	vsub.f32 v53, v48;
	v48 =	vadd.f32 v54, v58;
	v54 =	vld [tilespmem:s13+$0x8170]  }
0xa3: {  	s17 =	simm.s32 $0x600;
	s9 =	sshll.u32 s26, $0x8;
	v38 =	vadd.f32 v55, v47;
	v36 =	vadd.f32 v57, v56;
	v47 =	vmul.f32 v42, v3  }
.LBB2_3:
0xa4: {  	p2 =	sne.s32 s17, $0xFE00;
	v40 =	vadd.f32 v41, v40;
	v41 =	vmul.f32 v31, v31;
	v53 =	vadd.f32 $9.999999740e-06, v53;
	[tilespmem:s10+$0x10170] =	vst v48;
	v39 =	vmovc v37  }
0xa5: {  	v48 =	vadd.f32 v49, v46;
	v55 =	vmovc v24;
	v46 =	vmul.f32 v37, v39;
	v49 =	vmul.f32 v38, v38  }
0xa6: {  	v24 =	vmovc v16;
	v37 =	vadd.f32 v51, v50;
	v50 =	vmul.f32 v36, v36;
	v16 =	vmovc v38;
	v51 =	vbroadcast v53, $0xF  }
0xa7: {  	v53 =	vmul.f32 v48, v48;
	v38 =	vadd.f32 v54, v52;
	v52 =	vmul.f32 v40, v40;
	v54 =	vmovc v22  }
0xa8: {  	v56 =	vmul.f32 v37, v37;
	v22 =	vmovc v17;
	v17 =	vmovc v36;
	v57 =	vshrl.u32 v51, $0x1;
	v51 =	vmul.f32 $5.000000000e-01, v51  }
0xa9: {  	v36 =	vadd.f32 v39, v31;
	v58 =	vadd.f32 v17, v16;
	v57 =	vsub.s32 $0x5F3759DF, v57  }
0xaa: {  	v59 =	vadd.f32 v48, v40;
	v60 =	vadd.f32 v38, v37;
	v61 =	vmul.f32 v57, v51  }
0xab: {  	v41 =	vadd.f32 v46, v41;
	v46 =	vadd.f32 v50, v49;
	v62 =	vmul.f32 v38, v38  }
0xac: {  	v36 =	vadd.f32 v58, v36;
	v49 =	vadd.f32 v60, v59;
	v50 =	vmul.f32 v57, v61  }
0xad: {  	v52 =	vadd.f32 v53, v52;
	v53 =	vadd.f32 v62, v56;
	v56 =	vmul.f32 v42, v4  }
0xae: {  	v36 =	vadd.f32 v49, v36;
	v49 =	vsub.f32 $1.500000000e+00, v50;
	v50 =	vmul.f32 v42, v5  }
0xaf: {  	v41 =	vadd.f32 v46, v41;
	v46 =	vadd.f32 v53, v52;
	v42 =	vmul.f32 v42, v6  }
0xb0: {  	s18 =	sshra.s32 s17, $0x2;
	v43 =	vsub.f32 v8, v43;
	(xrf2) =	vadd.scan.msk.f32 $0xffff, v36;
	v36 =	vmul.f32 v57, v49;
	v49 =	vmul.f32 v33, v2  }
0xb1: {  	v53 =	vmul.f32 v33, v4;
	v41 =	vadd.f32 v46, v41;
	v46 =	vmul.f32 v33, v3;
	v52 =	vld [tilespmem:s18+$0x100]  }
0xb2: {  	v44 =	vsub.f32 v9, v44;
	v58 =	vmul.f32 v33, v5;
	v57 =	vld [tilespmem:s18+$0x8100];
	v51 =	vmul.f32 v36, v51  }
0xb3: {  	v59 =	vld [tilespmem:s18+$0x110];
	(xrf2) =	vadd.scan.msk.f32 $0xffff, v41;
	v41 =	vsub.f32 v10, v45;
	v45 =	vsub.f32 v11, v47;
	v47 =	vmul.f32 v33, v6  }
0xb4: {  	v50 =	vsub.f32 v13, v50;
	v60 =	vld [tilespmem:s18+$0x8110];
	v33 =	vmul.f32 v51, v36;
	v51 =	vsub.f32 v12, v56  }
0xb5: {  	v34 =	vmul.f32 v34, v23;
	v35 =	vmul.f32 v35, v26;
	v23 =	vmovc v21;
	v61 =	vsub.f32 v14, v42;
	v56 =	vld [tilespmem:s18+$0x120]  }
0xb6: {  	v21 =	vmovc v31;
	v26 =	vmovc v30;
	v46 =	vmul.f32 v46, v54;
	v42 =	vmul.f32 v49, v55;
	v62 =	vld [tilespmem:s18+$0x8120];
	v33 =	vsub.f32 $1.500000000e+00, v33  }
0xb7: {  	v31 =	vadd.f32 v43, v34;
	v43 =	vmul.f32 v53, v20;
	v20 =	vmovc v18;
	v49 =	vmul.f32 v58, v25;
	v30 =	vld [tilespmem:s18+$0x130]  }
0xb8: {  	v32 =	vbroadcast v32, $0xF;
	v35 =	vadd.f32 v44, v35;
	v18 =	vmovc v40;
	v25 =	vmovc v27;
	v55 =	vld [tilespmem:s18+$0x8130];
	v33 =	vmul.f32 v33, v36  }
0xb9: {  	v53 =	vadd.f32 v41, v42;
	v28 =	vmul.f32 v47, v28;
	v40 =	vld [tilespmem:s18+$0x140];
	[tilespmem:s10+$0x10100] =	vst v31;
	v31 =	vadd.f32 v45, v46  }
0xba: {  	v44 =	vadd.f32 v51, v43;
	v41 =	vld [tilespmem:s18+$0x8140];
	v36, _, _ =	vpop (xrf2);
	v42 =	vmul.f32 v33, v32;
	v34 =	vmul.f32 v33, v0;
	[tilespmem:s10+$0x10110] =	vst v35  }
0xbb: {  	v27 =	vmovc v48;
	v35 =	vmul.f32 v33, v1;
	v46 =	vld [tilespmem:s18+$0x150];
	v32 =	vmul.f32 $7.812500000e-03, v36;
	[tilespmem:s10+$0x10120] =	vst v53;
	v36 =	vadd.f32 v50, v49  }
0xbc: {  	v48 =	vadd.f32 v61, v28;
	v45 =	vmul.f32 v33, v7;
	v49 =	vld [tilespmem:s18+$0x8150];
	v47 =	vmul.f32 v42, v7;
	[tilespmem:s10+$0x10130] =	vst v31  }
.Ltmp2:
0xbd: {  	v28 =	vmov v19;
	v43 =	vmul.f32 v42, v0;
	v50 =	vld [tilespmem:s18+$0x160];
	v53 =	vmul.f32 v32, v32;
	v31, _, _ =	vpop (xrf2);
	[tilespmem:s10+$0x10140] =	vst v44;
	(pc) =	sbr.rel @p2 .LBB2_3-.Ltmp2, $4  }
0xbe: {  	v19 =	vmovc v37;
	v61 =	vmul.f32 v45, v29;
	v51 =	vld [tilespmem:s18+$0x8160];
	v58 =	vmul.f32 $7.812500000e-03, v31;
	v47 =	vsub.f32 v15, v47;
	[tilespmem:s10+$0x10150] =	vst v36  }
0xbf: {  	v37 =	vadd.f32 v60, v59;
	v44 =	vmul.f32 v42, v1;
	v31 =	vadd.f32 v57, v52;
	v52 =	vld [tilespmem:s18+$0x170];
	[tilespmem:s10+$0x10160] =	vst v48;
	s10 =	smov.u32 s12;
	s12 =	smov.u32 s13;
	s13 =	smov.u32 s18  }
0xc0: {  	v45 =	vmul.f32 v42, v2;
	v29 =	vmovc v38;
	v54 =	vld [tilespmem:s13+$0x8170];
	v53 =	vsub.f32 v58, v53;
	v48 =	vadd.f32 v47, v61  }
0xc1: {  	s17 =	sadd.s32 $0x200, s17;
	v38 =	vadd.f32 v62, v56;
	v36 =	vadd.f32 v55, v30;
	v30 =	vmovc v39;
	v47 =	vmul.f32 v42, v3  }
0xc2: {  	v41 =	vadd.f32 v41, v40;
	v55 =	vmul.f32 v31, v31;
	v40 =	vadd.f32 v49, v46  }
0xc3: {  	v49 =	vmul.f32 v37, v37;
	v56 =	vmul.f32 v38, v38;
	v39 =	vadd.f32 v51, v50  }
0xc4: {  	v50 =	vmul.f32 v36, v36;
	v57 =	vadd.f32 v36, v38;
	v59 =	vadd.f32 v40, v41  }
0xc5: {  	v51 =	vmul.f32 v41, v41;
	v49 =	vadd.f32 v49, v55;
	v46 =	vadd.f32 v54, v52  }
0xc6: {  	v52 =	vmul.f32 v40, v40;
	v54 =	vadd.f32 v37, v31;
	v58 =	vmul.f32 v39, v39  }
0xc7: {  	v50 =	vadd.f32 v50, v56;
	v60 =	vadd.f32 v46, v39;
	v61 =	vmul.f32 v46, v46  }
0xc8: {  	v54 =	vadd.f32 v57, v54;
	v51 =	vadd.f32 v52, v51  }
0xc9: {  	v62 =	vadd.f32 v60, v59;
	v63 =	vadd.f32 v61, v58  }
0xca: {  	v49 =	vadd.f32 v50, v49  }
0xcb: {  	v54 =	vadd.f32 v62, v54;
	v56 =	vadd.f32 v63, v51;
	_ =	sdelay $0x1  }
0xcc: {  	v53 =	vadd.f32 $9.999999740e-06, v53;
	(xrf2) =	vadd.scan.msk.f32 $0xffff, v54;
	v49 =	vadd.f32 v56, v49;
	_ =	sdelay $0x1  }
0xcd: {  	v57 =	vbroadcast v53, $0xF;
	(xrf2) =	vadd.scan.msk.f32 $0xffff, v49;
	_ =	sdelay $0x1  }
0xce: {  	v58 =	vshrl.u32 v57, $0x1;
	v51 =	vmul.f32 $5.000000000e-01, v57  }
0xcf: {  	v59 =	vsub.s32 $0x5F3759DF, v58  }
0xd0: {  	v50 =	vmul.f32 v59, v51;
	_ =	sdelay $0x1  }
0xd1: {  	v50 =	vmul.f32 v59, v50;
	_ =	sdelay $0x1  }
0xd2: {  	v23 =	vmul.f32 v34, v23;
	v26 =	vmul.f32 v35, v26;
	v50 =	vsub.f32 $1.500000000e+00, v50;
	v54, _, _ =	vpop (xrf2)  }
0xd3: {  	v32 =	vbroadcast v32, $0xF;
	v54 =	vmul.f32 $7.812500000e-03, v54  }
0xd4: {  	v43 =	vsub.f32 v8, v43;
	v55 =	vmul.f32 v33, v3;
	v49 =	vmul.f32 v59, v50;
	v60, _, _ =	vpop (xrf2)  }
0xd5: {  	v44 =	vsub.f32 v9, v44;
	v61 =	vmul.f32 v54, v54;
	v57 =	vmul.f32 $7.812500000e-03, v60  }
0xd6: {  	v45 =	vsub.f32 v10, v45;
	v22 =	vmul.f32 v55, v22;
	v52 =	vmul.f32 v42, v4  }
0xd7: {  	v50 =	vmul.f32 v33, v2;
	v51 =	vmul.f32 v49, v51;
	v57 =	vsub.f32 v57, v61  }
0xd8: {  	v47 =	vsub.f32 v11, v47;
	v53 =	vmul.f32 v42, v5;
	v42 =	vmul.f32 v42, v6  }
0xd9: {  	v24 =	vmul.f32 v50, v24;
	v51 =	vmul.f32 v51, v49;
	v50 =	vadd.f32 $9.999999740e-06, v57  }
0xda: {  	v23 =	vadd.f32 v43, v23;
	v62 =	vmul.f32 v33, v5;
	v56 =	vmul.f32 v33, v4  }
0xdb: {  	v63 =	vmul.f32 v33, v6;
	v51 =	vsub.f32 $1.500000000e+00, v51;
	v34 =	vbroadcast v50, $0xF  }
0xdc: {  	v25 =	vmul.f32 v62, v25;
	v20 =	vmul.f32 v56, v20;
	v24 =	vadd.f32 v45, v24  }
0xdd: {  	v35 =	vmul.f32 v51, v49;
	v56 =	vshrl.u32 v34, $0x1;
	v34 =	vmul.f32 $5.000000000e-01, v34  }
0xde: {  	v28 =	vmul.f32 v63, v28;
	[tilespmem:s10+$0x10120] =	vst v24;
	v24 =	vbroadcast v54, $0xF;
	v57 =	vsub.s32 $0x5F3759DF, v56  }
0xdf: {  	v26 =	vadd.f32 v44, v26;
	v32 =	vmul.f32 v35, v32;
	v58 =	vmul.f32 v57, v34  }
0xe0: {  	v22 =	vadd.f32 v47, v22;
	v43 =	vmul.f32 v35, v0;
	v45 =	vmul.f32 v35, v1  }
0xe1: {  	v52 =	vsub.f32 v12, v52;
	v59 =	vmul.f32 v35, v7;
	v44 =	vmul.f32 v57, v58  }
0xe2: {  	v42 =	vsub.f32 v14, v42;
	v60 =	vmul.f32 v32, v7;
	v61 =	vmul.f32 v32, v0  }
0xe3: {  	v29 =	vmul.f32 v59, v29;
	v62 =	vmul.f32 v32, v1;
	v44 =	vsub.f32 $1.500000000e+00, v44  }
0xe4: {  	v20 =	vadd.f32 v52, v20;
	v51 =	vmul.f32 v32, v2;
	v52 =	vmul.f32 v32, v3  }
0xe5: {  	v53 =	vsub.f32 v13, v53;
	v63 =	vmul.f32 v32, v4;
	v33 =	vmul.f32 v57, v44  }
0xe6: {  	v28 =	vadd.f32 v42, v28;
	v42 =	vmul.f32 v32, v5;
	v32 =	vmul.f32 v32, v6  }
0xe7: {  	v25 =	vadd.f32 v53, v25;
	v21 =	vmul.f32 v43, v21;
	v34 =	vmul.f32 v33, v34  }
0xe8: {  	[tilespmem:s10+$0x10100] =	vst v23;
	v23 =	vmul.f32 v45, v30;
	v49 =	vsub.f32 v15, v60;
	v60 =	vmul.f32 v35, v3  }
0xe9: {  	v47 =	vsub.f32 v9, v62;
	v62 =	vmul.f32 v35, v5;
	v34 =	vmul.f32 v34, v33  }
0xea: {  	v29 =	vadd.f32 v49, v29;
	v49 =	vsub.f32 v8, v61;
	v61 =	vmul.f32 v35, v4  }
0xeb: {  	[tilespmem:s10+$0x10170] =	vst v48;
	v51 =	vsub.f32 v10, v51;
	v17 =	vmul.f32 v60, v17;
	v30 =	vsub.f32 $1.500000000e+00, v34  }
0xec: {  	[tilespmem:s10+$0x10110] =	vst v26;
	v52 =	vsub.f32 v11, v52;
	v18 =	vmul.f32 v61, v18;
	v44 =	vmul.f32 v35, v2  }
0xed: {  	[tilespmem:s10+$0x10130] =	vst v22;
	v63 =	vsub.f32 v12, v63;
	v35 =	vmul.f32 v35, v6;
	v30 =	vmul.f32 v30, v33  }
0xee: {  	[tilespmem:s10+$0x10150] =	vst v25;
	v42 =	vsub.f32 v13, v42;
	v22 =	vmul.f32 v62, v27;
	v16 =	vmul.f32 v44, v16  }
0xef: {  	[tilespmem:s10+$0x10140] =	vst v20;
	v18 =	vadd.f32 v63, v18;
	v19 =	vmul.f32 v35, v19;
	v20 =	vmul.f32 v30, v24  }
0xf0: {  	[tilespmem:s10+$0x10160] =	vst v28;
	v22 =	vadd.f32 v42, v22;
	v24 =	vmul.f32 v30, v0;
	v25 =	vmul.f32 v30, v7  }
0xf1: {  	v26 =	vsub.f32 v14, v32;
	[tilespmem:s12+$0x10140] =	vst v18;
	v27 =	vmul.f32 v30, v1;
	v18 =	vmul.f32 v30, v4  }
0xf2: {  	v23 =	vadd.f32 v47, v23;
	[tilespmem:s12+$0x10150] =	vst v22;
	v22 =	vmul.f32 v30, v5;
	v28 =	vmul.f32 v20, v7  }
0xf3: {  	v21 =	vadd.f32 v49, v21;
	[tilespmem:s12+$0x10170] =	vst v29;
	v29 =	vmul.f32 v20, v0;
	v25 =	vmul.f32 v25, v46  }
0xf4: {  	v17 =	vadd.f32 v52, v17;
	[tilespmem:s12+$0x10110] =	vst v23;
	v45 =	vmul.f32 v20, v2;
	v23 =	vmul.f32 v20, v3  }
0xf5: {  	v19 =	vadd.f32 v26, v19;
	v26 =	vmul.f32 v20, v4;
	v24 =	vmul.f32 v24, v31  }
0xf6: {  	[tilespmem:s12+$0x10100] =	vst v21;
	v16 =	vadd.f32 v51, v16;
	v27 =	vmul.f32 v27, v37;
	v18 =	vmul.f32 v18, v41  }
0xf7: {  	[tilespmem:s12+$0x10130] =	vst v17;
	v21 =	vsub.f32 v15, v28;
	v28 =	vmul.f32 v20, v1;
	v17 =	vsub.f32 v8, v29  }
0xf8: {  	[tilespmem:s12+$0x10160] =	vst v19;
	v29 =	vmul.f32 v30, v3;
	v31 =	vsub.f32 v10, v45;
	v19 =	vsub.f32 v11, v23  }
0xf9: {  	[tilespmem:s12+$0x10120] =	vst v16;
	v26 =	vsub.f32 v12, v26;
	v16 =	vadd.f32 v21, v25;
	v25 =	vmul.f32 v30, v2  }
0xfa: {  	v21 =	vmul.f32 v20, v5;
	v28 =	vsub.f32 v9, v28;
	v17 =	vadd.f32 v17, v24  }
0xfb: {  	v20 =	vmul.f32 v20, v6;
	v18 =	vadd.f32 v26, v18;
	v23 =	vmul.f32 v25, v38;
	[tilespmem:s13+$0x10170] =	vst v16  }
0xfc: {  	v24 =	vmul.f32 v29, v36;
	v16 =	vmul.f32 v30, v6;
	v25 =	vadd.f32 v28, v27;
	[tilespmem:s13+$0x10100] =	vst v17  }
0xfd: {  	v22 =	vmul.f32 v22, v40;
	v21 =	vsub.f32 v13, v21;
	[tilespmem:s13+$0x10140] =	vst v18;
	v17 =	vadd.f32 v31, v23  }
0xfe: {  	v19 =	vadd.f32 v19, v24;
	v20 =	vsub.f32 v14, v20;
	[tilespmem:s13+$0x10110] =	vst v25;
	v16 =	vmul.f32 v16, v39  }
0xff: {  	s10 =	sshll.u32 s26, $0xF;
	[tilespmem:s13+$0x10120] =	vst v17;
	v17 =	vadd.f32 v21, v22  }
0x100: {  	s25 =	sadd.s32 s11, s10;
	[tilespmem:s13+$0x10130] =	vst v19;
	v16 =	vadd.f32 v20, v16  }
0x101: {  	s12 =	sshrl.u32 s25, $0x3;
	[tilespmem:s13+$0x10150] =	vst v17  }
0x102: {  	p2 =	seq.s32 s26, $0x63;
	s12 =	sadd.s32 s4, s12;
	[tilespmem:s13+$0x10160] =	vst v16  }
0x103: {  	[hbm4b:s12+s7] =	stream.linear.scatter [tilespmem:s5], [sflag:$0x7], $0x4000, $0x38;
	[tilespmem:$0x1A140] =	vst v63  }
0x104: {  	s12 =	sadd.s32 @!p2 s9, s14  }
0x105: {  	s13 =	sshrl.u32 @!p2 s12, $0x3  }
0x106: {  	s17 =	simm.s32 @!p2 $0x0;
	s12 =	sshll.u32 @!p2 s12, $0x4;
	s13 =	sadd.s32 @!p2 s8, s13  }
0x107: {  	[tilespmem:s17], [sflag:$0x1] =	stream.linear.gather @!p2 [hbm4b:s13+s17], $0x80, $0x38;
	[tilespmem:$0x1A140] =	vst v63  }
0x108: {  	s12 =	sadd.s32 @!p2 s0, s12;
	s13 =	simm.s32 @!p2 $0x100  }
0x109: {  	[tilespmem:s13], [sflag:$0x3] =	stream.linear.gather @!p2 [hbm4b:s12+s17], $0x4000, $0x38;
	[tilespmem:$0x1A140] =	vst v63  }
0x10a: {  	s12 =	simm.s32 @!p2 $0x1  }
0x10b: {  	_ =	swait.ge @!p2 [sflag:s12], $0x80  }
0x10c: {  	[sflag:s12] =	ssyncset.done @!p2 $0x0  }
0x10d: {  	s13 =	simm.s32 @!p2 $0x8100;
	[sflag:s12] =	ssyncadd.s32 @!p2 $0xFFFFFF80;
	s12 =	simm.s32 @!p2 $0x80  }
0x10e: {  	[tilespmem:s13], [sflag:$0x5] =	stream.indirect.gather @!p2 [spmem:s6], $0x80, s17, s12, $0xb8;
	[tilespmem:$0x1A140] =	vst v63  }
0x10f: {  	_ =	swait.ge [sflag:s1], $0x4000  }
0x110: {  	[sflag:s1] =	ssyncset.done $0x0  }
0x111: {  	[sflag:s1] =	ssyncadd.s32 $0xFFFFC000  }
0x112: {  	_ =	swait.ge [sflag:s2], $0x4000  }
0x113: {  	[sflag:s2] =	ssyncset.done $0x0  }
0x114: {  	s12 =	simm.s32 @!p1 $0x8;
	[sflag:s2] =	ssyncadd.s32 $0xFFFFC000  }
0x115: {  	_ =	swait.ge @!p1 [sflag:s12], $0x4000  }
0x116: {  	[sflag:s12] =	ssyncset.done @!p1 $0x0  }
0x117: {  	[sflag:s12] =	ssyncadd.s32 @!p1 $0xFFFFC000;
	s12 =	simm.s32 $0x0  }
0x118: {  	v16 =	vld [tilespmem:s12+$0x4100]  }
0x119: {  	v17 =	vld [tilespmem:s12+$0xC100]  }
0x11a: {  	v18 =	vld [tilespmem:s12+$0x4110]  }
0x11b: {  	v19 =	vld [tilespmem:s12+$0xC110]  }
0x11c: {  	v20 =	vld [tilespmem:s12+$0x4120]  }
0x11d: {  	v21 =	vld [tilespmem:s12+$0xC120]  }
0x11e: {  	v22 =	vld [tilespmem:s12+$0x4130]  }
0x11f: {  	v25 =	vld [tilespmem:s12+$0xC130]  }
0x120: {  	v27 =	vld [tilespmem:s12+$0x4140]  }
0x121: {  	v28 =	vld [tilespmem:s12+$0xC140]  }
0x122: {  	v29 =	vld [tilespmem:s12+$0x4150]  }
0x123: {  	v30 =	vld [tilespmem:s12+$0xC150]  }
0x124: {  	v31 =	vld [tilespmem:s12+$0x4160]  }
0x125: {  	v46 =	vld [tilespmem:s12+$0xC160]  }
0x126: {  	v47 =	vld [tilespmem:s12+$0x4170]  }
0x127: {  	v48 =	vld [tilespmem:s12+$0xC170]  }
0x128: {  	v23 =	vadd.f32 v17, v16;
	v26 =	vadd.f32 v19, v18  }
0x129: {  	v24 =	vadd.f32 v21, v20;
	v22 =	vadd.f32 v25, v22  }
0x12a: {  	v20 =	vadd.f32 v28, v27;
	v25 =	vadd.f32 v30, v29;
	v16 =	vmul.f32 v23, v23  }
0x12b: {  	v28 =	vadd.f32 v46, v31;
	v17 =	vmul.f32 v26, v26;
	v18 =	vmul.f32 v24, v24  }
0x12c: {  	v31 =	vadd.f32 v48, v47;
	v19 =	vmul.f32 v22, v22;
	v21 =	vmul.f32 v20, v20  }
0x12d: {  	v27 =	vmul.f32 v25, v25;
	v29 =	vadd.f32 v26, v23;
	v30 =	vadd.f32 v22, v24  }
0x12e: {  	v32 =	vmul.f32 v28, v28;
	v49 =	vadd.f32 v25, v20;
	v34 =	vadd.f32 v31, v28  }
0x12f: {  	v50 =	vmul.f32 v31, v31;
	v16 =	vadd.f32 v17, v16;
	v17 =	vadd.f32 v19, v18  }
0x130: {  	v18 =	vadd.f32 v30, v29;
	v19 =	vadd.f32 v34, v49  }
0x131: {  	v21 =	vadd.f32 v27, v21;
	v27 =	vadd.f32 v50, v32  }
0x132: {  	v18 =	vadd.f32 v19, v18  }
0x133: {  	v16 =	vadd.f32 v17, v16;
	v17 =	vadd.f32 v27, v21;
	_ =	sdelay $0x1  }
0x134: {  	s13 =	simm.s32 $0x80;
	(xrf2) =	vadd.scan.msk.f32 $0xffff, v18;
	v16 =	vadd.f32 v17, v16  }
0x135: {  	v51 =	vld [tilespmem:s13+$0x4130]  }
0x136: {  	v52 =	vld [tilespmem:s13+$0xC130];
	(xrf2) =	vadd.scan.msk.f32 $0xffff, v16  }
0x137: {  	v53 =	vld [tilespmem:s13+$0x4140]  }
0x138: {  	v55 =	vld [tilespmem:s13+$0x4150]  }
0x139: {  	v56 =	vld [tilespmem:s13+$0xC150]  }
0x13a: {  	v29 =	vld [tilespmem:s13+$0xC120]  }
0x13b: {  	v19 =	vld [tilespmem:s13+$0x4110]  }
0x13c: {  	v27 =	vld [tilespmem:s13+$0x4120]  }
0x13d: {  	v16 =	vld [tilespmem:s13+$0xC110]  }
0x13e: {  	v18 =	vld [tilespmem:s13+$0x4100];
	v21, _, _ =	vpop (xrf2)  }
0x13f: {  	v17 =	vld [tilespmem:s13+$0xC100];
	v37 =	vmul.f32 $7.812500000e-03, v21  }
0x140: {  	v54 =	vld [tilespmem:s13+$0xC140];
	v21, _, _ =	vpop (xrf2)  }
0x141: {  	v57 =	vld [tilespmem:s13+$0x4160];
	v58 =	vmul.f32 v37, v37;
	v60 =	vmul.f32 $7.812500000e-03, v21  }
0x142: {  	v59 =	vld [tilespmem:s13+$0xC160];
	v30 =	vadd.f32 v16, v19  }
0x143: {  	v61 =	vld [tilespmem:s13+$0x4170];
	v16 =	vadd.f32 v29, v27;
	v19 =	vsub.f32 v60, v58  }
0x144: {  	v62 =	vld [tilespmem:s13+$0xC170];
	v27 =	vadd.f32 v56, v55;
	v48 =	vmul.f32 v30, v30;
	v21 =	vadd.f32 v17, v18  }
0x145: {  	v49 =	vmul.f32 v16, v16;
	v17 =	vadd.f32 v52, v51;
	v29 =	vadd.f32 $9.999999740e-06, v19  }
0x146: {  	v18 =	vadd.f32 v54, v53;
	v53 =	vmul.f32 v27, v27;
	v63 =	vmul.f32 v21, v21  }
0x147: {  	v50 =	vmul.f32 v17, v17;
	v51 =	vbroadcast v29, $0xF  }
0x148: {  	v52 =	vmul.f32 v18, v18;
	v56 =	vadd.f32 v30, v21;
	v19 =	vadd.f32 v59, v57  }
0x149: {  	v29 =	vadd.f32 v62, v61;
	v55 =	vshrl.u32 v51, $0x1;
	v36 =	vmul.f32 $5.000000000e-01, v51  }
0x14a: {  	v58 =	vadd.f32 v27, v18;
	v57 =	vadd.f32 v17, v16;
	v41 =	vsub.s32 $0x5F3759DF, v55  }
0x14b: {  	v32 =	vadd.f32 v48, v63;
	v59 =	vadd.f32 v29, v19;
	v60 =	vmul.f32 v41, v36  }
0x14c: {  	v38 =	vadd.f32 v53, v52;
	v54 =	vmul.f32 v19, v19;
	v61 =	vmul.f32 v29, v29  }
0x14d: {  	v63 =	vadd.f32 v57, v56;
	v45 =	vadd.f32 v59, v58;
	v46 =	vmul.f32 v41, v60  }
0x14e: {  	v62 =	vadd.f32 v50, v49;
	v47 =	vadd.f32 v61, v54  }
0x14f: {  	v34 =	vadd.f32 v45, v63;
	v48 =	vsub.f32 $1.500000000e+00, v46  }
0x150: {  	v32 =	vadd.f32 v62, v32;
	v49 =	vadd.f32 v47, v38  }
0x151: {  	s17 =	simm.s32 $0x100;
	(xrf2) =	vadd.scan.msk.f32 $0xffff, v34;
	v50 =	vmul.f32 v41, v48  }
0x152: {  	v39 =	vld [tilespmem:s17+$0x4110];
	v32 =	vadd.f32 v49, v32  }
0x153: {  	v44 =	vld [tilespmem:s17+$0xC110];
	v51 =	vmul.f32 v50, v36  }
0x154: {  	v40 =	vld [tilespmem:s17+$0x4140];
	(xrf2) =	vadd.scan.msk.f32 $0xffff, v32  }
0x155: {  	v56 =	vld [tilespmem:s17+$0x4130];
	v52 =	vmul.f32 v51, v50  }
0x156: {  	v57 =	vld [tilespmem:s17+$0xC130]  }
0x157: {  	v55 =	vld [tilespmem:s17+$0xC120];
	v32 =	vsub.f32 $1.500000000e+00, v52  }
0x158: {  	v38 =	vld [tilespmem:s17+$0x4100]  }
0x159: {  	v53 =	vbroadcast v37, $0xF;
	v47 =	vld [tilespmem:s17+$0x4120];
	v33 =	vmul.f32 v32, v50  }
0x15a: {  	v46 =	vld [tilespmem:s17+$0x4150]  }
0x15b: {  	v36 =	vld [tilespmem:s17+$0xC100];
	v54, _, _ =	vpop (xrf2);
	v42 =	vmul.f32 v33, v53  }
0x15c: {  	v49 =	vld [tilespmem:s17+$0xC150];
	v32 =	vmul.f32 $7.812500000e-03, v54;
	v34 =	vmul.f32 v33, v0  }
0x15d: {  	v41 =	vld [tilespmem:s17+$0xC140];
	v58 =	vmul.f32 v33, v7;
	v59 =	vmul.f32 v42, v7  }
0x15e: {  	v37 =	vadd.f32 v44, v39;
	v51 =	vld [tilespmem:s17+$0xC160];
	v35 =	vmul.f32 v33, v1;
	v60, _, _ =	vpop (xrf2);
	v48 =	vmul.f32 v32, v32  }
0x15f: {  	v52 =	vld [tilespmem:s17+$0x4170];
	v61 =	vmul.f32 $7.812500000e-03, v60;
	v63 =	vmul.f32 v58, v31;
	v62 =	vsub.f32 v15, v59  }
0x160: {  	v50 =	vld [tilespmem:s17+$0x4160];
	v43 =	vmul.f32 v42, v0;
	v31 =	vadd.f32 v36, v38;
	v44 =	vmul.f32 v42, v1  }
0x161: {  	v54 =	vld [tilespmem:s17+$0xC170];
	v45 =	vmul.f32 v42, v2;
	v53 =	vsub.f32 v61, v48;
	v48 =	vadd.f32 v62, v63  }
0x162: {  	s18 =	simm.s32 $0x600;
	v38 =	vadd.f32 v55, v47;
	v36 =	vadd.f32 v57, v56;
	v47 =	vmul.f32 v42, v3  }
.LBB2_5:
0x163: {  	p1 =	sne.s32 s18, $0xFE00;
	v40 =	vadd.f32 v41, v40;
	v41 =	vmul.f32 v31, v31;
	v53 =	vadd.f32 $9.999999740e-06, v53;
	[tilespmem:s12+$0x14170] =	vst v48;
	v39 =	vmovc v37  }
0x164: {  	v48 =	vadd.f32 v49, v46;
	v55 =	vmovc v24;
	v46 =	vmul.f32 v37, v39;
	v49 =	vmul.f32 v38, v38  }
0x165: {  	v24 =	vmovc v16;
	v37 =	vadd.f32 v51, v50;
	v50 =	vmul.f32 v36, v36;
	v16 =	vmovc v38;
	v51 =	vbroadcast v53, $0xF  }
0x166: {  	v53 =	vmul.f32 v48, v48;
	v38 =	vadd.f32 v54, v52;
	v52 =	vmul.f32 v40, v40;
	v54 =	vmovc v22  }
0x167: {  	v56 =	vmul.f32 v37, v37;
	v22 =	vmovc v17;
	v17 =	vmovc v36;
	v57 =	vshrl.u32 v51, $0x1;
	v51 =	vmul.f32 $5.000000000e-01, v51  }
0x168: {  	v36 =	vadd.f32 v39, v31;
	v58 =	vadd.f32 v17, v16;
	v57 =	vsub.s32 $0x5F3759DF, v57  }
0x169: {  	v59 =	vadd.f32 v48, v40;
	v60 =	vadd.f32 v38, v37;
	v61 =	vmul.f32 v57, v51  }
0x16a: {  	v41 =	vadd.f32 v46, v41;
	v46 =	vadd.f32 v50, v49;
	v62 =	vmul.f32 v38, v38  }
0x16b: {  	v36 =	vadd.f32 v58, v36;
	v49 =	vadd.f32 v60, v59;
	v50 =	vmul.f32 v57, v61  }
0x16c: {  	v52 =	vadd.f32 v53, v52;
	v53 =	vadd.f32 v62, v56;
	v56 =	vmul.f32 v42, v4  }
0x16d: {  	v36 =	vadd.f32 v49, v36;
	v49 =	vsub.f32 $1.500000000e+00, v50;
	v50 =	vmul.f32 v42, v5  }
0x16e: {  	v41 =	vadd.f32 v46, v41;
	v46 =	vadd.f32 v53, v52;
	v42 =	vmul.f32 v42, v6  }
0x16f: {  	s25 =	sshra.s32 s18, $0x2;
	v43 =	vsub.f32 v8, v43;
	(xrf2) =	vadd.scan.msk.f32 $0xffff, v36;
	v36 =	vmul.f32 v57, v49;
	v49 =	vmul.f32 v33, v2  }
0x170: {  	v53 =	vmul.f32 v33, v4;
	v41 =	vadd.f32 v46, v41;
	v46 =	vmul.f32 v33, v3;
	v52 =	vld [tilespmem:s25+$0x4100]  }
0x171: {  	v44 =	vsub.f32 v9, v44;
	v58 =	vmul.f32 v33, v5;
	v57 =	vld [tilespmem:s25+$0xC100];
	v51 =	vmul.f32 v36, v51  }
0x172: {  	v59 =	vld [tilespmem:s25+$0x4110];
	(xrf2) =	vadd.scan.msk.f32 $0xffff, v41;
	v41 =	vsub.f32 v10, v45;
	v45 =	vsub.f32 v11, v47;
	v47 =	vmul.f32 v33, v6  }
0x173: {  	v50 =	vsub.f32 v13, v50;
	v60 =	vld [tilespmem:s25+$0xC110];
	v33 =	vmul.f32 v51, v36;
	v51 =	vsub.f32 v12, v56  }
0x174: {  	v34 =	vmul.f32 v34, v23;
	v35 =	vmul.f32 v35, v26;
	v23 =	vmovc v21;
	v61 =	vsub.f32 v14, v42;
	v56 =	vld [tilespmem:s25+$0x4120]  }
0x175: {  	v21 =	vmovc v31;
	v26 =	vmovc v30;
	v46 =	vmul.f32 v46, v54;
	v42 =	vmul.f32 v49, v55;
	v62 =	vld [tilespmem:s25+$0xC120];
	v33 =	vsub.f32 $1.500000000e+00, v33  }
0x176: {  	v31 =	vadd.f32 v43, v34;
	v43 =	vmul.f32 v53, v20;
	v20 =	vmovc v18;
	v49 =	vmul.f32 v58, v25;
	v30 =	vld [tilespmem:s25+$0x4130]  }
0x177: {  	v32 =	vbroadcast v32, $0xF;
	v35 =	vadd.f32 v44, v35;
	v18 =	vmovc v40;
	v25 =	vmovc v27;
	v55 =	vld [tilespmem:s25+$0xC130];
	v33 =	vmul.f32 v33, v36  }
0x178: {  	v53 =	vadd.f32 v41, v42;
	v28 =	vmul.f32 v47, v28;
	v40 =	vld [tilespmem:s25+$0x4140];
	[tilespmem:s12+$0x14100] =	vst v31;
	v31 =	vadd.f32 v45, v46  }
0x179: {  	v44 =	vadd.f32 v51, v43;
	v41 =	vld [tilespmem:s25+$0xC140];
	v36, _, _ =	vpop (xrf2);
	v42 =	vmul.f32 v33, v32;
	v34 =	vmul.f32 v33, v0;
	[tilespmem:s12+$0x14110] =	vst v35  }
0x17a: {  	v27 =	vmovc v48;
	v35 =	vmul.f32 v33, v1;
	v46 =	vld [tilespmem:s25+$0x4150];
	v32 =	vmul.f32 $7.812500000e-03, v36;
	[tilespmem:s12+$0x14120] =	vst v53;
	v36 =	vadd.f32 v50, v49  }
0x17b: {  	v48 =	vadd.f32 v61, v28;
	v45 =	vmul.f32 v33, v7;
	v49 =	vld [tilespmem:s25+$0xC150];
	v47 =	vmul.f32 v42, v7;
	[tilespmem:s12+$0x14130] =	vst v31  }
.Ltmp3:
0x17c: {  	v28 =	vmov v19;
	v43 =	vmul.f32 v42, v0;
	v50 =	vld [tilespmem:s25+$0x4160];
	v53 =	vmul.f32 v32, v32;
	v31, _, _ =	vpop (xrf2);
	[tilespmem:s12+$0x14140] =	vst v44;
	(pc) =	sbr.rel @p1 .LBB2_5-.Ltmp3, $4  }
0x17d: {  	v19 =	vmovc v37;
	v61 =	vmul.f32 v45, v29;
	v51 =	vld [tilespmem:s25+$0xC160];
	v58 =	vmul.f32 $7.812500000e-03, v31;
	v47 =	vsub.f32 v15, v47;
	[tilespmem:s12+$0x14150] =	vst v36  }
0x17e: {  	v37 =	vadd.f32 v60, v59;
	v44 =	vmul.f32 v42, v1;
	v31 =	vadd.f32 v57, v52;
	v52 =	vld [tilespmem:s25+$0x4170];
	[tilespmem:s12+$0x14160] =	vst v48;
	s12 =	smov.u32 s13;
	s13 =	smov.u32 s17;
	s17 =	smov.u32 s25  }
0x17f: {  	v45 =	vmul.f32 v42, v2;
	v29 =	vmovc v38;
	v54 =	vld [tilespmem:s17+$0xC170];
	v53 =	vsub.f32 v58, v53;
	v48 =	vadd.f32 v47, v61  }
0x180: {  	s18 =	sadd.s32 $0x200, s18;
	v38 =	vadd.f32 v62, v56;
	v36 =	vadd.f32 v55, v30;
	v30 =	vmovc v39;
	v47 =	vmul.f32 v42, v3  }
0x181: {  	v41 =	vadd.f32 v41, v40;
	v55 =	vmul.f32 v31, v31;
	v40 =	vadd.f32 v49, v46  }
0x182: {  	v49 =	vmul.f32 v37, v37;
	v56 =	vmul.f32 v38, v38;
	v39 =	vadd.f32 v51, v50  }
0x183: {  	v50 =	vmul.f32 v36, v36;
	v57 =	vadd.f32 v36, v38;
	v59 =	vadd.f32 v40, v41  }
0x184: {  	v51 =	vmul.f32 v41, v41;
	v49 =	vadd.f32 v49, v55;
	v46 =	vadd.f32 v54, v52  }
0x185: {  	v52 =	vmul.f32 v40, v40;
	v54 =	vadd.f32 v37, v31;
	v58 =	vmul.f32 v39, v39  }
0x186: {  	v50 =	vadd.f32 v50, v56;
	v60 =	vadd.f32 v46, v39;
	v61 =	vmul.f32 v46, v46  }
0x187: {  	v54 =	vadd.f32 v57, v54;
	v51 =	vadd.f32 v52, v51  }
0x188: {  	v62 =	vadd.f32 v60, v59;
	v63 =	vadd.f32 v61, v58  }
0x189: {  	v49 =	vadd.f32 v50, v49  }
0x18a: {  	v54 =	vadd.f32 v62, v54;
	v56 =	vadd.f32 v63, v51;
	_ =	sdelay $0x1  }
0x18b: {  	v53 =	vadd.f32 $9.999999740e-06, v53;
	(xrf2) =	vadd.scan.msk.f32 $0xffff, v54;
	v49 =	vadd.f32 v56, v49;
	_ =	sdelay $0x1  }
0x18c: {  	v57 =	vbroadcast v53, $0xF;
	(xrf2) =	vadd.scan.msk.f32 $0xffff, v49;
	_ =	sdelay $0x1  }
0x18d: {  	v58 =	vshrl.u32 v57, $0x1;
	v51 =	vmul.f32 $5.000000000e-01, v57  }
0x18e: {  	v59 =	vsub.s32 $0x5F3759DF, v58  }
0x18f: {  	v50 =	vmul.f32 v59, v51;
	_ =	sdelay $0x1  }
0x190: {  	v50 =	vmul.f32 v59, v50;
	_ =	sdelay $0x1  }
0x191: {  	v23 =	vmul.f32 v34, v23;
	v26 =	vmul.f32 v35, v26;
	v50 =	vsub.f32 $1.500000000e+00, v50;
	v54, _, _ =	vpop (xrf2)  }
0x192: {  	v32 =	vbroadcast v32, $0xF;
	v54 =	vmul.f32 $7.812500000e-03, v54  }
0x193: {  	v43 =	vsub.f32 v8, v43;
	v55 =	vmul.f32 v33, v3;
	v49 =	vmul.f32 v59, v50;
	v60, _, _ =	vpop (xrf2)  }
0x194: {  	v44 =	vsub.f32 v9, v44;
	v61 =	vmul.f32 v54, v54;
	v57 =	vmul.f32 $7.812500000e-03, v60  }
0x195: {  	v45 =	vsub.f32 v10, v45;
	v22 =	vmul.f32 v55, v22;
	v51 =	vmul.f32 v49, v51  }
0x196: {  	v52 =	vmul.f32 v42, v4;
	v53 =	vmul.f32 v42, v5;
	v57 =	vsub.f32 v57, v61  }
0x197: {  	v47 =	vsub.f32 v11, v47;
	v62 =	vmul.f32 v33, v5;
	v51 =	vmul.f32 v51, v49  }
0x198: {  	v42 =	vmul.f32 v42, v6;
	v63 =	vmul.f32 v33, v6;
	v60 =	vadd.f32 $9.999999740e-06, v57  }
0x199: {  	v56 =	vmul.f32 v33, v4;
	v25 =	vmul.f32 v62, v25;
	v61 =	vsub.f32 $1.500000000e+00, v51  }
0x19a: {  	v23 =	vadd.f32 v43, v23;
	v28 =	vmul.f32 v63, v28;
	v34 =	vbroadcast v60, $0xF  }
0x19b: {  	v26 =	vadd.f32 v44, v26;
	v50 =	vmul.f32 v33, v2;
	v35 =	vmul.f32 v61, v49  }
0x19c: {  	v20 =	vmul.f32 v56, v20;
	v62 =	vshrl.u32 v34, $0x1;
	v34 =	vmul.f32 $5.000000000e-01, v34  }
0x19d: {  	v24 =	vmul.f32 v50, v24;
	v32 =	vmul.f32 v35, v32;
	v63 =	vsub.s32 $0x5F3759DF, v62  }
0x19e: {  	v52 =	vsub.f32 v12, v52;
	v43 =	vmul.f32 v35, v0;
	v55 =	vmul.f32 v63, v34  }
0x19f: {  	v24 =	vadd.f32 v45, v24;
	v45 =	vmul.f32 v35, v1;
	v56 =	vmul.f32 v35, v7  }
0x1a0: {  	v53 =	vsub.f32 v13, v53;
	v61 =	vmul.f32 v35, v3;
	v44 =	vmul.f32 v63, v55  }
0x1a1: {  	v42 =	vsub.f32 v14, v42;
	v57 =	vmul.f32 v32, v7;
	v58 =	vmul.f32 v32, v0  }
0x1a2: {  	v29 =	vmul.f32 v56, v29;
	v59 =	vmul.f32 v32, v1;
	v44 =	vsub.f32 $1.500000000e+00, v44  }
0x1a3: {  	v20 =	vadd.f32 v52, v20;
	v51 =	vmul.f32 v32, v2;
	v52 =	vmul.f32 v32, v3  }
0x1a4: {  	v25 =	vadd.f32 v53, v25;
	v53 =	vmul.f32 v32, v4;
	v33 =	vmul.f32 v63, v44  }
0x1a5: {  	v22 =	vadd.f32 v47, v22;
	v60 =	vmul.f32 v32, v5;
	v32 =	vmul.f32 v32, v6  }
0x1a6: {  	v28 =	vadd.f32 v42, v28;
	v21 =	vmul.f32 v43, v21;
	v34 =	vmul.f32 v33, v34  }
0x1a7: {  	v17 =	vmul.f32 v61, v17;
	v62 =	vmul.f32 v35, v4;
	v49 =	vsub.f32 v15, v57  }
0x1a8: {  	v61 =	vbroadcast v54, $0xF;
	v47 =	vsub.f32 v9, v59;
	v34 =	vmul.f32 v34, v33  }
0x1a9: {  	v51 =	vsub.f32 v10, v51;
	v18 =	vmul.f32 v62, v18;
	v29 =	vadd.f32 v49, v29  }
0x1aa: {  	[tilespmem:s12+$0x14170] =	vst v48;
	v49 =	vsub.f32 v8, v58;
	v58 =	vmul.f32 v45, v30;
	v59 =	vsub.f32 $1.500000000e+00, v34  }
0x1ab: {  	[tilespmem:s12+$0x14100] =	vst v23;
	v52 =	vsub.f32 v11, v52;
	v44 =	vmul.f32 v35, v2;
	v63 =	vmul.f32 v35, v5  }
0x1ac: {  	[tilespmem:s12+$0x14110] =	vst v26;
	v57 =	vsub.f32 v12, v53;
	v35 =	vmul.f32 v35, v6;
	v30 =	vmul.f32 v59, v33  }
0x1ad: {  	[tilespmem:s12+$0x14130] =	vst v22;
	v42 =	vsub.f32 v13, v60;
	v16 =	vmul.f32 v44, v16;
	v62 =	vmul.f32 v63, v27  }
0x1ae: {  	[tilespmem:s12+$0x14150] =	vst v25;
	v60 =	vsub.f32 v14, v32;
	v19 =	vmul.f32 v35, v19;
	v63 =	vmul.f32 v30, v61  }
0x1af: {  	[tilespmem:s12+$0x14160] =	vst v28;
	v17 =	vadd.f32 v52, v17;
	v43 =	vmul.f32 v30, v0;
	v44 =	vmul.f32 v30, v7  }
0x1b0: {  	[tilespmem:s12+$0x14140] =	vst v20;
	v18 =	vadd.f32 v57, v18;
	v45 =	vmul.f32 v30, v1;
	v55 =	vmul.f32 v30, v2  }
0x1b1: {  	[tilespmem:s12+$0x14120] =	vst v24;
	v21 =	vadd.f32 v49, v21;
	v56 =	vmul.f32 v30, v3;
	v57 =	vmul.f32 v30, v4  }
0x1b2: {  	v23 =	vadd.f32 v47, v58;
	[tilespmem:s13+$0x14170] =	vst v29;
	v58 =	vmul.f32 v30, v5;
	v47 =	vmul.f32 v63, v7  }
0x1b3: {  	[tilespmem:s13+$0x14130] =	vst v17;
	v16 =	vadd.f32 v51, v16;
	v48 =	vmul.f32 v63, v0;
	v25 =	vmul.f32 v44, v46  }
0x1b4: {  	[tilespmem:s13+$0x14140] =	vst v18;
	v22 =	vadd.f32 v42, v62;
	v50 =	vmul.f32 v63, v1;
	v51 =	vmul.f32 v63, v2  }
0x1b5: {  	[tilespmem:s13+$0x14100] =	vst v21;
	v19 =	vadd.f32 v60, v19;
	v52 =	vmul.f32 v63, v3;
	v53 =	vmul.f32 v63, v4  }
0x1b6: {  	[tilespmem:s13+$0x14110] =	vst v23;
	v54 =	vmul.f32 v63, v5;
	v20 =	vmul.f32 v63, v6;
	v49 =	vsub.f32 v15, v47  }
0x1b7: {  	[tilespmem:s13+$0x14120] =	vst v16;
	v24 =	vmul.f32 v43, v31;
	v27 =	vmul.f32 v45, v37;
	v17 =	vsub.f32 v8, v48  }
0x1b8: {  	[tilespmem:s13+$0x14150] =	vst v22;
	v61 =	vmul.f32 v55, v38;
	v28 =	vsub.f32 v9, v50;
	v16 =	vadd.f32 v49, v25  }
0x1b9: {  	[tilespmem:s13+$0x14160] =	vst v19;
	v62 =	vmul.f32 v56, v36;
	v60 =	vsub.f32 v11, v52;
	v17 =	vadd.f32 v17, v24  }
0x1ba: {  	v18 =	vmul.f32 v57, v41;
	v59 =	vsub.f32 v10, v51;
	v63 =	vadd.f32 v28, v27;
	[tilespmem:s17+$0x14170] =	vst v16  }
0x1bb: {  	v26 =	vsub.f32 v12, v53;
	v19 =	vadd.f32 v60, v62;
	v16 =	vmul.f32 v30, v6;
	[tilespmem:s17+$0x14100] =	vst v17  }
0x1bc: {  	v22 =	vmul.f32 v58, v40;
	v21 =	vsub.f32 v13, v54;
	v17 =	vadd.f32 v59, v61;
	[tilespmem:s17+$0x14110] =	vst v63  }
0x1bd: {  	v20 =	vsub.f32 v14, v20;
	v18 =	vadd.f32 v26, v18;
	[tilespmem:s17+$0x14130] =	vst v19;
	v16 =	vmul.f32 v16, v39  }
.Ltmp4:
0x1be: {  	[tilespmem:s17+$0x14120] =	vst v17;
	v17 =	vadd.f32 v21, v22;
	(pc) =	sbr.rel @p2 .LBB2_8-.Ltmp4, $4  }
0x1bf: {  	s10 =	sadd.s32 s10, s15;
	[tilespmem:s17+$0x14140] =	vst v18;
	v16 =	vadd.f32 v20, v16  }
0x1c0: {  	s10 =	sshrl.u32 s10, $0x3;
	[tilespmem:s17+$0x14150] =	vst v17  }
0x1c1: {  	s10 =	sadd.s32 s4, s10;
	[tilespmem:s17+$0x14160] =	vst v16  }
0x1c2: {  	[hbm4b:s10+s7] =	stream.linear.scatter [tilespmem:s3], [sflag:$0x8], $0x4000, $0x38;
	[tilespmem:$0x1A140] =	vst v63  }
0x1c3: {  	s9 =	sadd.s32 s9, s16  }
.Ltmp5:
0x1c4: {  	s10 =	sshrl.u32 s9, $0x3;
	(pc) =	sbr.rel .LBB2_2-.Ltmp5, $4  }
0x1c5: {  	s9 =	sshll.u32 s9, $0x4;
	s10 =	sadd.s32 s8, s10  }
0x1c6: {  	[tilespmem:s23], [sflag:$0x2] =	stream.linear.gather [hbm4b:s10+s7], $0x80, $0x38;
	[tilespmem:$0x1A140] =	vst v63  }
0x1c7: {  	s26 =	sadd.s32 $0x1, s26;
	s9 =	sadd.s32 s0, s9  }
0x1c8: {  	[tilespmem:s24], [sflag:$0x4] =	stream.linear.gather [hbm4b:s9+s7], $0x4000, $0x38;
	[tilespmem:$0x1A140] =	vst v63  }
.LBB2_9:
0x1c9: {  	_ =	sfence.sel $0x180000  }
0x1ca: {  	[bflag:$0x0] =	sbarrier.arrive $0xFFFF  }
0x1cb: {  	_ =	strace $0x90000047  }
0x1cc: {  	[bflag:$0x2] =	sbarrier.arrive $0xFFFF  }
0x1cd: {  	s0 =	rddreg [dreg:$0x7]  }
0x1ce: {  	s0 =	sadd.s32 @!p0 $0x100000, s0  }
0x1cf: {  	[sflag:s0] =	ssyncadd.tile.s32 @!p0 $0x1;
	_ =	shalt  }
.Lfunc_end2:
_tile_overlayer_lowered:
.L_overlay_start_2:
0x1d0: {  	(tag) =	ssettag $0x2  }
0x1d1: {  	s0 =	rddreg [dreg:$0x0];
	s2 =	stileid.u32  }
0x1d2: {  	s1 =	rddreg [dreg:$0x1];
	p0 =	sne.s32 s2, $0x0  }
0x1d3: {  	s3 =	rddreg [dreg:$0x2];
	[bflag:$0x3] =	sbarrier.arrive $0xFFFF;
	s2 =	simm.s32 @!p0 $0x1C09  }
0x1d4: {  	[timem:s3], [sflag:s2] =	dma.local @!p0 [hbm:s0], s1  }
0x1d5: {  	s0 =	simm.s32 @!p0 $0x9  }
0x1d6: {  	_ =	swait.ge @!p0 [sflag:s0], s1  }
0x1d7: {  	s1 =	ssub.s32 @!p0 $0x0, s1;
	[sflag:s0] =	ssyncset.done @!p0 $0x0  }
0x1d8: {  	[sflag:s0] =	ssyncadd.s32 @!p0 s1  }
0x1d9: {  	[bflag:$0x3] =	sbarrier.arrive $0xFFFF  }
0x1da: {  	_ =	shalt  }

</sc_bundles>
